<compile_context>
chip_gen: v7x
topology: tpu7x:2x2x1
jax: 0.10.2.dev20260603
libtpu: 0.0.44.dev20260713+nightly
codegen_flags: <defaults>
</compile_context>

<pallas_src>
import functools

import jax
import jax.numpy as jnp
from jax import lax
from jax.experimental import pallas as pl
from jax.experimental.pallas import tpu as pltpu
from jax.experimental.pallas import tpu_sc as plsc

GRID = 64
D_ROW = 1024
D_COL = 1024
D_MODEL = D_ROW + D_COL
SEQ = GRID * GRID

NC = 2
NS = 16
NW = NC * NS
HB = GRID // 2


@functools.partial(
    pl.kernel,
    mesh=plsc.VectorSubcoreMesh(core_axis_name="c", subcore_axis_name="s"),
    out_type=jax.ShapeDtypeStruct((SEQ, D_MODEL), jnp.float32),
    scratch_types=[
        pltpu.VMEM((2, D_ROW), jnp.float32),
        pltpu.VMEM((HB, D_ROW), jnp.float32),
        pltpu.VMEM((HB, D_ROW), jnp.float32),
        pltpu.VMEM((HB, D_COL), jnp.float32),
        pltpu.VMEM_SHARED((GRID, D_COL), jnp.float32),
        pltpu.SemaphoreType.DMA,
        pltpu.SemaphoreType.DMA,
        pltpu.SemaphoreType.DMA,
        pltpu.SemaphoreType.DMA,
        pltpu.SemaphoreType.DMA,
    ],
)
def _pos_enc_sc(row_hbm, col_hbm, out_hbm, rowbuf, left_a, left_b, col_a,
                col_sh, sem_c, sem_r0, sem_r1, sem_lw, sem_rw):
    sid = lax.axis_index("s")
    wid = sid * NC + lax.axis_index("c")
    lefts = (left_a, left_b)

    cp_r0 = pltpu.async_copy(
        row_hbm.at[pl.ds(2 * wid, 1)], rowbuf.at[pl.ds(0, 1)], sem_r0)
    cp_r1 = pltpu.async_copy(
        row_hbm.at[pl.ds(2 * wid + 1, 1)], rowbuf.at[pl.ds(1, 1)], sem_r1)

    @pl.when(sid == 0)
    def _():
        pltpu.sync_copy(col_hbm, col_sh)

    def make_fill(t):
        def fill(j, _):
            off = pl.multiple_of(j * 16, 16)
            v = rowbuf[t, pl.ds(off, 16)]
            for i in range(HB):
                lefts[t][i, pl.ds(off, 16)] = v
            return 0
        return fill

    left_writes = []
    r0base = pl.multiple_of(2 * wid * GRID, GRID)
    cp_r0.wait()
    lax.fori_loop(0, D_ROW // 16, make_fill(0), 0)
    left_writes.append(pltpu.async_copy(
        left_a, out_hbm.at[pl.ds(r0base, HB), pl.ds(0, D_ROW)], sem_lw))
    left_writes.append(pltpu.async_copy(
        left_a, out_hbm.at[pl.ds(r0base + HB, HB), pl.ds(0, D_ROW)], sem_lw))

    plsc.subcore_barrier()
    pltpu.async_copy(col_sh.at[pl.ds(0, HB)], col_a, sem_c).wait()

    right_writes = []
    for t in range(2):
        rbase = pl.multiple_of((2 * wid + t) * GRID, GRID)
        right_writes.append(pltpu.async_copy(
            col_a, out_hbm.at[pl.ds(rbase, HB), pl.ds(D_ROW, D_COL)], sem_rw))
        right_writes.append(pltpu.async_copy(
            col_sh.at[pl.ds(HB, HB)],
            out_hbm.at[pl.ds(rbase + HB, HB), pl.ds(D_ROW, D_COL)],
            sem_rw))

    r1base = pl.multiple_of((2 * wid + 1) * GRID, GRID)
    cp_r1.wait()
    lax.fori_loop(0, D_ROW // 16, make_fill(1), 0)
    left_writes.append(pltpu.async_copy(
        left_b, out_hbm.at[pl.ds(r1base, HB), pl.ds(0, D_ROW)], sem_lw))
    left_writes.append(pltpu.async_copy(
        left_b, out_hbm.at[pl.ds(r1base + HB, HB), pl.ds(0, D_ROW)], sem_lw))

    for w in left_writes:
        w.wait()
    for w in right_writes:
        w.wait()


def kernel(seq_len, row_embed, col_embed):
    del seq_len
    return _pos_enc_sc(row_embed, col_embed)

# --- scband reference (transcript-rebuilt; emitter-appended) ---
"""Pipeline reference for scband-positional-encoding2-d-32255204393203 (READ-ONLY COPY).

The authoritative reference and input builder live on the scoring server;
editing this copy changes nothing except your own understanding.
"""

import jax, jax.numpy as jnp
import numpy as np

GRID_SIZE = 64
D_MODEL = 2048
D_ROW = D_MODEL // 2
D_COL = D_MODEL - D_ROW


def setup_inputs(seed: int = 0) -> dict:
    key = jax.random.key(seed)
    k1, k2 = jax.random.split(key)
    # learned embedding tables (nn.Embedding default init ~ N(0,1))
    row_embed = jax.random.normal(k1, (GRID_SIZE, D_ROW), dtype=jnp.float32)
    col_embed = jax.random.normal(k2, (GRID_SIZE, D_COL), dtype=jnp.float32)
    return {"seq_len": GRID_SIZE * GRID_SIZE, "row_embed": row_embed, "col_embed": col_embed}


def reference(seq_len, row_embed, col_embed):
    is_expected_len = seq_len == GRID_SIZE ** 2
    # row_idx = arange(G).repeat_interleave(G); col_idx = arange(G).repeat(G)
    row_idx = jnp.repeat(jnp.arange(GRID_SIZE, dtype=jnp.int32), GRID_SIZE)
    col_idx = jnp.tile(jnp.arange(GRID_SIZE, dtype=jnp.int32), GRID_SIZE)
    row_emb = jnp.take(row_embed, row_idx, axis=0)
    col_emb = jnp.take(col_embed, col_idx, axis=0)
    pos_encoding = jnp.concatenate([row_emb, col_emb], axis=-1)
    pos_encoding = jnp.where(is_expected_len, pos_encoding, pos_encoding)
    return pos_encoding

if __name__ == "__main__":
    import jax
    _d = setup_inputs()
    print(jax.jit(kernel)(*tuple(_d.values())))

</pallas_src>

<mosaic_0001>
#map = affine_map<(d0, d1) -> (0, 0)>
module attributes {stable_mosaic.version = 14 : i64} {
  func.func @_pos_enc_sc(%arg0: i32, %arg1: i32, %arg2: memref<64x1024xf32, #tpu.memory_space<hbm>>, %arg3: memref<64x1024xf32, #tpu.memory_space<hbm>>, %arg4: memref<4096x2048xf32, #tpu.memory_space<hbm>>, %arg5: memref<2x1024xf32, #tpu.memory_space<vmem>>, %arg6: memref<32x1024xf32, #tpu.memory_space<vmem>>, %arg7: memref<32x1024xf32, #tpu.memory_space<vmem>>, %arg8: memref<32x1024xf32, #tpu.memory_space<vmem>>, %arg9: memref<64x1024xf32, #tpu.memory_space<vmem_shared>>, %arg10: memref<!tpu.dma_semaphore, #tpu.memory_space<semaphore_mem>>, %arg11: memref<!tpu.dma_semaphore, #tpu.memory_space<semaphore_mem>>, %arg12: memref<!tpu.dma_semaphore, #tpu.memory_space<semaphore_mem>>, %arg13: memref<!tpu.dma_semaphore, #tpu.memory_space<semaphore_mem>>, %arg14: memref<!tpu.dma_semaphore, #tpu.memory_space<semaphore_mem>>) attributes {dimension_semantics = [#tpu.dimension_semantics<core_parallel>, #tpu.dimension_semantics<subcore_parallel>], iteration_bounds = array<i64: 2, 16>, scalar_prefetch = 0 : i64, scratch_operands = 10 : i64, tpu.core_type = #tpu.core_type<sc_vector_subcore>, window_params = [{transform_indices = #map}, {transform_indices = #map}, {transform_indices = #map}]} {
    %mul3A = arith.constant 2 : i32
    %mul3A_0 = arith.muli %arg1, %mul3A : i32
    %add3A = arith.addi %mul3A_0, %arg0 : i32
    %mul3A_1 = arith.constant 2 : i32
    %mul3A_2 = arith.muli %mul3A_1, %add3A : i32
    %dma_start3A = arith.constant 0 : i32
    %dma_start3A_3 = arith.constant 0 : i32
    %dma_start3A_4 = tpu.memref_slice %arg5[%dma_start3A, %dma_start3A_3] : memref<2x1024xf32, #tpu.memory_space<vmem>> -> memref<1x1024xf32, #tpu.memory_space<vmem>>
    %dma_start3A_5 = arith.constant 0 : i32
    %dma_start3A_6 = tpu.memref_slice %arg2[%mul3A_2, %dma_start3A_5] : memref<64x1024xf32, #tpu.memory_space<hbm>> -> memref<1x1024xf32, #tpu.memory_space<hbm>>
    %dma_start3A_7 = arith.constant 0 : i32
    %dma_start3A_8 = arith.constant 0 : i32
    %dma_start3A_9 = tpu.memref_slice %arg5[%dma_start3A_7, %dma_start3A_8] : memref<2x1024xf32, #tpu.memory_space<vmem>> -> memref<1x1024xf32, #tpu.memory_space<vmem>>
    %dma_start3A_10 = arith.constant 0 : i32
    %dma_start3A_11 = tpu.memref_slice %arg2[%mul3A_2, %dma_start3A_10] : memref<64x1024xf32, #tpu.memory_space<hbm>> -> memref<1x1024xf32, #tpu.memory_space<hbm>>
    tpu.enqueue_dma source(%dma_start3A_11 : memref<1x1024xf32, #tpu.memory_space<hbm>>) target(%dma_start3A_9 : memref<1x1024xf32, #tpu.memory_space<vmem>>) target_semaphore(%arg11 : memref<!tpu.dma_semaphore, #tpu.memory_space<semaphore_mem>>)
    %mul3A_12 = arith.constant 2 : i32
    %mul3A_13 = arith.muli %mul3A_12, %add3A : i32
    %add3A_14 = arith.constant 1 : i32
    %add3A_15 = arith.addi %mul3A_13, %add3A_14 : i32
    %dma_start3A_16 = arith.constant 1 : i32
    %dma_start3A_17 = arith.constant 0 : i32
    %dma_start3A_18 = tpu.memref_slice %arg5[%dma_start3A_16, %dma_start3A_17] : memref<2x1024xf32, #tpu.memory_space<vmem>> -> memref<1x1024xf32, #tpu.memory_space<vmem>>
    %dma_start3A_19 = arith.constant 0 : i32
    %dma_start3A_20 = tpu.memref_slice %arg2[%add3A_15, %dma_start3A_19] : memref<64x1024xf32, #tpu.memory_space<hbm>> -> memref<1x1024xf32, #tpu.memory_space<hbm>>
    %dma_start3A_21 = arith.constant 1 : i32
    %dma_start3A_22 = arith.constant 0 : i32
    %dma_start3A_23 = tpu.memref_slice %arg5[%dma_start3A_21, %dma_start3A_22] : memref<2x1024xf32, #tpu.memory_space<vmem>> -> memref<1x1024xf32, #tpu.memory_space<vmem>>
    %dma_start3A_24 = arith.constant 0 : i32
    %dma_start3A_25 = tpu.memref_slice %arg2[%add3A_15, %dma_start3A_24] : memref<64x1024xf32, #tpu.memory_space<hbm>> -> memref<1x1024xf32, #tpu.memory_space<hbm>>
    tpu.enqueue_dma source(%dma_start3A_25 : memref<1x1024xf32, #tpu.memory_space<hbm>>) target(%dma_start3A_23 : memref<1x1024xf32, #tpu.memory_space<vmem>>) target_semaphore(%arg12 : memref<!tpu.dma_semaphore, #tpu.memory_space<semaphore_mem>>)
    %eq3A = arith.constant 0 : i32
    %eq3A_26 = arith.cmpi eq, %arg1, %eq3A : i32
    %convert_element_type3A = arith.extui %eq3A_26 : i1 to i32
    %cond3A = arith.constant 0 : i32
    %cond3A_27 = arith.cmpi ne, %convert_element_type3A, %cond3A : i32
    scf.if %cond3A_27 {
      "tpu.region"() ({
        %run_scoped3A = tpu.sem_alloc : memref<!tpu.dma_semaphore, #tpu.memory_space<semaphore_mem>>
        tpu.enqueue_dma source(%arg3 : memref<64x1024xf32, #tpu.memory_space<hbm>>) target(%arg9 : memref<64x1024xf32, #tpu.memory_space<vmem_shared>>) target_semaphore(%run_scoped3A : memref<!tpu.dma_semaphore, #tpu.memory_space<semaphore_mem>>)
        tpu.wait_dma2 semaphore(%run_scoped3A : memref<!tpu.dma_semaphore, #tpu.memory_space<semaphore_mem>>) src(%arg3 : memref<64x1024xf32, #tpu.memory_space<hbm>>) dst(%arg9 : memref<64x1024xf32, #tpu.memory_space<vmem_shared>>)
        tpu.yield
      }) : () -> ()
    } else {
    }
    %mul3A_28 = arith.constant 2 : i32
    %mul3A_29 = arith.muli %mul3A_28, %add3A : i32
    %mul3A_30 = arith.constant 64 : i32
    %mul3A_31 = arith.muli %mul3A_29, %mul3A_30 : i32
    %multiple_of3A = tpu.assume_multiple %mul3A_31, 64 : i32
    %dma_wait3A = arith.constant 0 : i32
    %dma_wait3A_32 = arith.constant 0 : i32
    %dma_wait3A_33 = tpu.memref_slice %arg5[%dma_wait3A, %dma_wait3A_32] : memref<2x1024xf32, #tpu.memory_space<vmem>> -> memref<1x1024xf32, #tpu.memory_space<vmem>>
    %dma_wait3A_34 = arith.constant 0 : i32
    %dma_wait3A_35 = tpu.memref_slice %arg2[%mul3A_2, %dma_wait3A_34] : memref<64x1024xf32, #tpu.memory_space<hbm>> -> memref<1x1024xf32, #tpu.memory_space<hbm>>
    %dma_wait3A_36 = arith.constant 0 : i32
    %dma_wait3A_37 = arith.constant 0 : i32
    %dma_wait3A_38 = tpu.memref_slice %arg5[%dma_wait3A_36, %dma_wait3A_37] : memref<2x1024xf32, #tpu.memory_space<vmem>> -> memref<1x1024xf32, #tpu.memory_space<vmem>>
    %dma_wait3A_39 = arith.constant 0 : i32
    %dma_wait3A_40 = tpu.memref_slice %arg2[%mul3A_2, %dma_wait3A_39] : memref<64x1024xf32, #tpu.memory_space<hbm>> -> memref<1x1024xf32, #tpu.memory_space<hbm>>
    tpu.wait_dma2 semaphore(%arg11 : memref<!tpu.dma_semaphore, #tpu.memory_space<semaphore_mem>>) src(%dma_wait3A_40 : memref<1x1024xf32, #tpu.memory_space<hbm>>) dst(%dma_wait3A_38 : memref<1x1024xf32, #tpu.memory_space<vmem>>)
    %scan3A = arith.constant 0 : i32
    %scan3A_41 = arith.constant 0 : i32
    %scan3A_42 = arith.constant 64 : i32
    %scan3A_43 = arith.addi %scan3A_41, %scan3A_42 : i32
    %scan3A_44 = arith.constant 1 : i32
    %scan3A_45 = scf.for %scan3A_173 = %scan3A_41 to %scan3A_43 step %scan3A_44 iter_args(%scan3A_174 = %scan3A) -> (i32)  : i32 {
      %mul3A_175 = arith.constant 16 : i32
      %mul3A_176 = arith.muli %scan3A_173, %mul3A_175 : i32
      %multiple_of3A_177 = tpu.assume_multiple %mul3A_176, 16 : i32
      %get3A = arith.constant 0 : i32
      %get3A_178 = arith.index_cast %get3A : i32 to index
      %get3A_179 = arith.index_cast %multiple_of3A_177 : i32 to index
      %get3A_180 = tpu.vector_load %arg5[%get3A_178, %get3A_179] {strides = array<i32>} : memref<2x1024xf32, #tpu.memory_space<vmem>>, vector<1x16xf32>,
      %get3A_181 = vector.shape_cast %get3A_180 : vector<1x16xf32> to vector<16xf32>
      %swap3A = arith.constant 0 : i32
      %swap3A_182 = arith.index_cast %swap3A : i32 to index
      %swap3A_183 = arith.index_cast %multiple_of3A_177 : i32 to index
      %swap3A_184 = tpu.vector_load %arg6[%swap3A_182, %swap3A_183] {strides = array<i32>} : memref<32x1024xf32, #tpu.memory_space<vmem>>, vector<1x16xf32>,
      %swap3A_185 = vector.shape_cast %swap3A_184 : vector<1x16xf32> to vector<16xf32>
      %swap3A_186 = vector.shape_cast %get3A_181 : vector<16xf32> to vector<1x16xf32>
      tpu.vector_store %arg6[%swap3A_182, %swap3A_183], %swap3A_186 {strides = array<i32>} : memref<32x1024xf32, #tpu.memory_space<vmem>>, vector<1x16xf32>,
      %swap3A_187 = arith.constant 1 : i32
      %swap3A_188 = arith.index_cast %swap3A_187 : i32 to index
      %swap3A_189 = arith.index_cast %multiple_of3A_177 : i32 to index
      %swap3A_190 = tpu.vector_load %arg6[%swap3A_188, %swap3A_189] {strides = array<i32>} : memref<32x1024xf32, #tpu.memory_space<vmem>>, vector<1x16xf32>,
      %swap3A_191 = vector.shape_cast %swap3A_190 : vector<1x16xf32> to vector<16xf32>
      %swap3A_192 = vector.shape_cast %get3A_181 : vector<16xf32> to vector<1x16xf32>
      tpu.vector_store %arg6[%swap3A_188, %swap3A_189], %swap3A_192 {strides = array<i32>} : memref<32x1024xf32, #tpu.memory_space<vmem>>, vector<1x16xf32>,
      %swap3A_193 = arith.constant 2 : i32
      %swap3A_194 = arith.index_cast %swap3A_193 : i32 to index
      %swap3A_195 = arith.index_cast %multiple_of3A_177 : i32 to index
      %swap3A_196 = tpu.vector_load %arg6[%swap3A_194, %swap3A_195] {strides = array<i32>} : memref<32x1024xf32, #tpu.memory_space<vmem>>, vector<1x16xf32>,
      %swap3A_197 = vector.shape_cast %swap3A_196 : vector<1x16xf32> to vector<16xf32>
      %swap3A_198 = vector.shape_cast %get3A_181 : vector<16xf32> to vector<1x16xf32>
      tpu.vector_store %arg6[%swap3A_194, %swap3A_195], %swap3A_198 {strides = array<i32>} : memref<32x1024xf32, #tpu.memory_space<vmem>>, vector<1x16xf32>,
      %swap3A_199 = arith.constant 3 : i32
      %swap3A_200 = arith.index_cast %swap3A_199 : i32 to index
      %swap3A_201 = arith.index_cast %multiple_of3A_177 : i32 to index
      %swap3A_202 = tpu.vector_load %arg6[%swap3A_200, %swap3A_201] {strides = array<i32>} : memref<32x1024xf32, #tpu.memory_space<vmem>>, vector<1x16xf32>,
      %swap3A_203 = vector.shape_cast %swap3A_202 : vector<1x16xf32> to vector<16xf32>
      %swap3A_204 = vector.shape_cast %get3A_181 : vector<16xf32> to vector<1x16xf32>
      tpu.vector_store %arg6[%swap3A_200, %swap3A_201], %swap3A_204 {strides = array<i32>} : memref<32x1024xf32, #tpu.memory_space<vmem>>, vector<1x16xf32>,
      %swap3A_205 = arith.constant 4 : i32
      %swap3A_206 = arith.index_cast %swap3A_205 : i32 to index
      %swap3A_207 = arith.index_cast %multiple_of3A_177 : i32 to index
      %swap3A_208 = tpu.vector_load %arg6[%swap3A_206, %swap3A_207] {strides = array<i32>} : memref<32x1024xf32, #tpu.memory_space<vmem>>, vector<1x16xf32>,
      %swap3A_209 = vector.shape_cast %swap3A_208 : vector<1x16xf32> to vector<16xf32>
      %swap3A_210 = vector.shape_cast %get3A_181 : vector<16xf32> to vector<1x16xf32>
      tpu.vector_store %arg6[%swap3A_206, %swap3A_207], %swap3A_210 {strides = array<i32>} : memref<32x1024xf32, #tpu.memory_space<vmem>>, vector<1x16xf32>,
      %swap3A_211 = arith.constant 5 : i32
      %swap3A_212 = arith.index_cast %swap3A_211 : i32 to index
      %swap3A_213 = arith.index_cast %multiple_of3A_177 : i32 to index
      %swap3A_214 = tpu.vector_load %arg6[%swap3A_212, %swap3A_213] {strides = array<i32>} : memref<32x1024xf32, #tpu.memory_space<vmem>>, vector<1x16xf32>,
      %swap3A_215 = vector.shape_cast %swap3A_214 : vector<1x16xf32> to vector<16xf32>
      %swap3A_216 = vector.shape_cast %get3A_181 : vector<16xf32> to vector<1x16xf32>
      tpu.vector_store %arg6[%swap3A_212, %swap3A_213], %swap3A_216 {strides = array<i32>} : memref<32x1024xf32, #tpu.memory_space<vmem>>, vector<1x16xf32>,
      %swap3A_217 = arith.constant 6 : i32
      %swap3A_218 = arith.index_cast %swap3A_217 : i32 to index
      %swap3A_219 = arith.index_cast %multiple_of3A_177 : i32 to index
      %swap3A_220 = tpu.vector_load %arg6[%swap3A_218, %swap3A_219] {strides = array<i32>} : memref<32x1024xf32, #tpu.memory_space<vmem>>, vector<1x16xf32>,
      %swap3A_221 = vector.shape_cast %swap3A_220 : vector<1x16xf32> to vector<16xf32>
      %swap3A_222 = vector.shape_cast %get3A_181 : vector<16xf32> to vector<1x16xf32>
      tpu.vector_store %arg6[%swap3A_218, %swap3A_219], %swap3A_222 {strides = array<i32>} : memref<32x1024xf32, #tpu.memory_space<vmem>>, vector<1x16xf32>,
      %swap3A_223 = arith.constant 7 : i32
      %swap3A_224 = arith.index_cast %swap3A_223 : i32 to index
      %swap3A_225 = arith.index_cast %multiple_of3A_177 : i32 to index
      %swap3A_226 = tpu.vector_load %arg6[%swap3A_224, %swap3A_225] {strides = array<i32>} : memref<32x1024xf32, #tpu.memory_space<vmem>>, vector<1x16xf32>,
      %swap3A_227 = vector.shape_cast %swap3A_226 : vector<1x16xf32> to vector<16xf32>
      %swap3A_228 = vector.shape_cast %get3A_181 : vector<16xf32> to vector<1x16xf32>
      tpu.vector_store %arg6[%swap3A_224, %swap3A_225], %swap3A_228 {strides = array<i32>} : memref<32x1024xf32, #tpu.memory_space<vmem>>, vector<1x16xf32>,
      %swap3A_229 = arith.constant 8 : i32
      %swap3A_230 = arith.index_cast %swap3A_229 : i32 to index
      %swap3A_231 = arith.index_cast %multiple_of3A_177 : i32 to index
      %swap3A_232 = tpu.vector_load %arg6[%swap3A_230, %swap3A_231] {strides = array<i32>} : memref<32x1024xf32, #tpu.memory_space<vmem>>, vector<1x16xf32>,
      %swap3A_233 = vector.shape_cast %swap3A_232 : vector<1x16xf32> to vector<16xf32>
      %swap3A_234 = vector.shape_cast %get3A_181 : vector<16xf32> to vector<1x16xf32>
      tpu.vector_store %arg6[%swap3A_230, %swap3A_231], %swap3A_234 {strides = array<i32>} : memref<32x1024xf32, #tpu.memory_space<vmem>>, vector<1x16xf32>,
      %swap3A_235 = arith.constant 9 : i32
      %swap3A_236 = arith.index_cast %swap3A_235 : i32 to index
      %swap3A_237 = arith.index_cast %multiple_of3A_177 : i32 to index
      %swap3A_238 = tpu.vector_load %arg6[%swap3A_236, %swap3A_237] {strides = array<i32>} : memref<32x1024xf32, #tpu.memory_space<vmem>>, vector<1x16xf32>,
      %swap3A_239 = vector.shape_cast %swap3A_238 : vector<1x16xf32> to vector<16xf32>
      %swap3A_240 = vector.shape_cast %get3A_181 : vector<16xf32> to vector<1x16xf32>
      tpu.vector_store %arg6[%swap3A_236, %swap3A_237], %swap3A_240 {strides = array<i32>} : memref<32x1024xf32, #tpu.memory_space<vmem>>, vector<1x16xf32>,
      %swap3A_241 = arith.constant 10 : i32
      %swap3A_242 = arith.index_cast %swap3A_241 : i32 to index
      %swap3A_243 = arith.index_cast %multiple_of3A_177 : i32 to index
      %swap3A_244 = tpu.vector_load %arg6[%swap3A_242, %swap3A_243] {strides = array<i32>} : memref<32x1024xf32, #tpu.memory_space<vmem>>, vector<1x16xf32>,
      %swap3A_245 = vector.shape_cast %swap3A_244 : vector<1x16xf32> to vector<16xf32>
      %swap3A_246 = vector.shape_cast %get3A_181 : vector<16xf32> to vector<1x16xf32>
      tpu.vector_store %arg6[%swap3A_242, %swap3A_243], %swap3A_246 {strides = array<i32>} : memref<32x1024xf32, #tpu.memory_space<vmem>>, vector<1x16xf32>,
      %swap3A_247 = arith.constant 11 : i32
      %swap3A_248 = arith.index_cast %swap3A_247 : i32 to index
      %swap3A_249 = arith.index_cast %multiple_of3A_177 : i32 to index
      %swap3A_250 = tpu.vector_load %arg6[%swap3A_248, %swap3A_249] {strides = array<i32>} : memref<32x1024xf32, #tpu.memory_space<vmem>>, vector<1x16xf32>,
      %swap3A_251 = vector.shape_cast %swap3A_250 : vector<1x16xf32> to vector<16xf32>
      %swap3A_252 = vector.shape_cast %get3A_181 : vector<16xf32> to vector<1x16xf32>
      tpu.vector_store %arg6[%swap3A_248, %swap3A_249], %swap3A_252 {strides = array<i32>} : memref<32x1024xf32, #tpu.memory_space<vmem>>, vector<1x16xf32>,
      %swap3A_253 = arith.constant 12 : i32
      %swap3A_254 = arith.index_cast %swap3A_253 : i32 to index
      %swap3A_255 = arith.index_cast %multiple_of3A_177 : i32 to index
      %swap3A_256 = tpu.vector_load %arg6[%swap3A_254, %swap3A_255] {strides = array<i32>} : memref<32x1024xf32, #tpu.memory_space<vmem>>, vector<1x16xf32>,
      %swap3A_257 = vector.shape_cast %swap3A_256 : vector<1x16xf32> to vector<16xf32>
      %swap3A_258 = vector.shape_cast %get3A_181 : vector<16xf32> to vector<1x16xf32>
      tpu.vector_store %arg6[%swap3A_254, %swap3A_255], %swap3A_258 {strides = array<i32>} : memref<32x1024xf32, #tpu.memory_space<vmem>>, vector<1x16xf32>,
      %swap3A_259 = arith.constant 13 : i32
      %swap3A_260 = arith.index_cast %swap3A_259 : i32 to index
      %swap3A_261 = arith.index_cast %multiple_of3A_177 : i32 to index
      %swap3A_262 = tpu.vector_load %arg6[%swap3A_260, %swap3A_261] {strides = array<i32>} : memref<32x1024xf32, #tpu.memory_space<vmem>>, vector<1x16xf32>,
      %swap3A_263 = vector.shape_cast %swap3A_262 : vector<1x16xf32> to vector<16xf32>
      %swap3A_264 = vector.shape_cast %get3A_181 : vector<16xf32> to vector<1x16xf32>
      tpu.vector_store %arg6[%swap3A_260, %swap3A_261], %swap3A_264 {strides = array<i32>} : memref<32x1024xf32, #tpu.memory_space<vmem>>, vector<1x16xf32>,
      %swap3A_265 = arith.constant 14 : i32
      %swap3A_266 = arith.index_cast %swap3A_265 : i32 to index
      %swap3A_267 = arith.index_cast %multiple_of3A_177 : i32 to index
      %swap3A_268 = tpu.vector_load %arg6[%swap3A_266, %swap3A_267] {strides = array<i32>} : memref<32x1024xf32, #tpu.memory_space<vmem>>, vector<1x16xf32>,
      %swap3A_269 = vector.shape_cast %swap3A_268 : vector<1x16xf32> to vector<16xf32>
      %swap3A_270 = vector.shape_cast %get3A_181 : vector<16xf32> to vector<1x16xf32>
      tpu.vector_store %arg6[%swap3A_266, %swap3A_267], %swap3A_270 {strides = array<i32>} : memref<32x1024xf32, #tpu.memory_space<vmem>>, vector<1x16xf32>,
      %swap3A_271 = arith.constant 15 : i32
      %swap3A_272 = arith.index_cast %swap3A_271 : i32 to index
      %swap3A_273 = arith.index_cast %multiple_of3A_177 : i32 to index
      %swap3A_274 = tpu.vector_load %arg6[%swap3A_272, %swap3A_273] {strides = array<i32>} : memref<32x1024xf32, #tpu.memory_space<vmem>>, vector<1x16xf32>,
      %swap3A_275 = vector.shape_cast %swap3A_274 : vector<1x16xf32> to vector<16xf32>
      %swap3A_276 = vector.shape_cast %get3A_181 : vector<16xf32> to vector<1x16xf32>
      tpu.vector_store %arg6[%swap3A_272, %swap3A_273], %swap3A_276 {strides = array<i32>} : memref<32x1024xf32, #tpu.memory_space<vmem>>, vector<1x16xf32>,
      %swap3A_277 = arith.constant 16 : i32
      %swap3A_278 = arith.index_cast %swap3A_277 : i32 to index
      %swap3A_279 = arith.index_cast %multiple_of3A_177 : i32 to index
      %swap3A_280 = tpu.vector_load %arg6[%swap3A_278, %swap3A_279] {strides = array<i32>} : memref<32x1024xf32, #tpu.memory_space<vmem>>, vector<1x16xf32>,
      %swap3A_281 = vector.shape_cast %swap3A_280 : vector<1x16xf32> to vector<16xf32>
      %swap3A_282 = vector.shape_cast %get3A_181 : vector<16xf32> to vector<1x16xf32>
      tpu.vector_store %arg6[%swap3A_278, %swap3A_279], %swap3A_282 {strides = array<i32>} : memref<32x1024xf32, #tpu.memory_space<vmem>>, vector<1x16xf32>,
      %swap3A_283 = arith.constant 17 : i32
      %swap3A_284 = arith.index_cast %swap3A_283 : i32 to index
      %swap3A_285 = arith.index_cast %multiple_of3A_177 : i32 to index
      %swap3A_286 = tpu.vector_load %arg6[%swap3A_284, %swap3A_285] {strides = array<i32>} : memref<32x1024xf32, #tpu.memory_space<vmem>>, vector<1x16xf32>,
      %swap3A_287 = vector.shape_cast %swap3A_286 : vector<1x16xf32> to vector<16xf32>
      %swap3A_288 = vector.shape_cast %get3A_181 : vector<16xf32> to vector<1x16xf32>
      tpu.vector_store %arg6[%swap3A_284, %swap3A_285], %swap3A_288 {strides = array<i32>} : memref<32x1024xf32, #tpu.memory_space<vmem>>, vector<1x16xf32>,
      %swap3A_289 = arith.constant 18 : i32
      %swap3A_290 = arith.index_cast %swap3A_289 : i32 to index
      %swap3A_291 = arith.index_cast %multiple_of3A_177 : i32 to index
      %swap3A_292 = tpu.vector_load %arg6[%swap3A_290, %swap3A_291] {strides = array<i32>} : memref<32x1024xf32, #tpu.memory_space<vmem>>, vector<1x16xf32>,
      %swap3A_293 = vector.shape_cast %swap3A_292 : vector<1x16xf32> to vector<16xf32>
      %swap3A_294 = vector.shape_cast %get3A_181 : vector<16xf32> to vector<1x16xf32>
      tpu.vector_store %arg6[%swap3A_290, %swap3A_291], %swap3A_294 {strides = array<i32>} : memref<32x1024xf32, #tpu.memory_space<vmem>>, vector<1x16xf32>,
      %swap3A_295 = arith.constant 19 : i32
      %swap3A_296 = arith.index_cast %swap3A_295 : i32 to index
      %swap3A_297 = arith.index_cast %multiple_of3A_177 : i32 to index
      %swap3A_298 = tpu.vector_load %arg6[%swap3A_296, %swap3A_297] {strides = array<i32>} : memref<32x1024xf32, #tpu.memory_space<vmem>>, vector<1x16xf32>,
      %swap3A_299 = vector.shape_cast %swap3A_298 : vector<1x16xf32> to vector<16xf32>
      %swap3A_300 = vector.shape_cast %get3A_181 : vector<16xf32> to vector<1x16xf32>
      tpu.vector_store %arg6[%swap3A_296, %swap3A_297], %swap3A_300 {strides = array<i32>} : memref<32x1024xf32, #tpu.memory_space<vmem>>, vector<1x16xf32>,
      %swap3A_301 = arith.constant 20 : i32
      %swap3A_302 = arith.index_cast %swap3A_301 : i32 to index
      %swap3A_303 = arith.index_cast %multiple_of3A_177 : i32 to index
      %swap3A_304 = tpu.vector_load %arg6[%swap3A_302, %swap3A_303] {strides = array<i32>} : memref<32x1024xf32, #tpu.memory_space<vmem>>, vector<1x16xf32>,
      %swap3A_305 = vector.shape_cast %swap3A_304 : vector<1x16xf32> to vector<16xf32>
      %swap3A_306 = vector.shape_cast %get3A_181 : vector<16xf32> to vector<1x16xf32>
      tpu.vector_store %arg6[%swap3A_302, %swap3A_303], %swap3A_306 {strides = array<i32>} : memref<32x1024xf32, #tpu.memory_space<vmem>>, vector<1x16xf32>,
      %swap3A_307 = arith.constant 21 : i32
      %swap3A_308 = arith.index_cast %swap3A_307 : i32 to index
      %swap3A_309 = arith.index_cast %multiple_of3A_177 : i32 to index
      %swap3A_310 = tpu.vector_load %arg6[%swap3A_308, %swap3A_309] {strides = array<i32>} : memref<32x1024xf32, #tpu.memory_space<vmem>>, vector<1x16xf32>,
      %swap3A_311 = vector.shape_cast %swap3A_310 : vector<1x16xf32> to vector<16xf32>
      %swap3A_312 = vector.shape_cast %get3A_181 : vector<16xf32> to vector<1x16xf32>
      tpu.vector_store %arg6[%swap3A_308, %swap3A_309], %swap3A_312 {strides = array<i32>} : memref<32x1024xf32, #tpu.memory_space<vmem>>, vector<1x16xf32>,
      %swap3A_313 = arith.constant 22 : i32
      %swap3A_314 = arith.index_cast %swap3A_313 : i32 to index
      %swap3A_315 = arith.index_cast %multiple_of3A_177 : i32 to index
      %swap3A_316 = tpu.vector_load %arg6[%swap3A_314, %swap3A_315] {strides = array<i32>} : memref<32x1024xf32, #tpu.memory_space<vmem>>, vector<1x16xf32>,
      %swap3A_317 = vector.shape_cast %swap3A_316 : vector<1x16xf32> to vector<16xf32>
      %swap3A_318 = vector.shape_cast %get3A_181 : vector<16xf32> to vector<1x16xf32>
      tpu.vector_store %arg6[%swap3A_314, %swap3A_315], %swap3A_318 {strides = array<i32>} : memref<32x1024xf32, #tpu.memory_space<vmem>>, vector<1x16xf32>,
      %swap3A_319 = arith.constant 23 : i32
      %swap3A_320 = arith.index_cast %swap3A_319 : i32 to index
      %swap3A_321 = arith.index_cast %multiple_of3A_177 : i32 to index
      %swap3A_322 = tpu.vector_load %arg6[%swap3A_320, %swap3A_321] {strides = array<i32>} : memref<32x1024xf32, #tpu.memory_space<vmem>>, vector<1x16xf32>,
      %swap3A_323 = vector.shape_cast %swap3A_322 : vector<1x16xf32> to vector<16xf32>
      %swap3A_324 = vector.shape_cast %get3A_181 : vector<16xf32> to vector<1x16xf32>
      tpu.vector_store %arg6[%swap3A_320, %swap3A_321], %swap3A_324 {strides = array<i32>} : memref<32x1024xf32, #tpu.memory_space<vmem>>, vector<1x16xf32>,
      %swap3A_325 = arith.constant 24 : i32
      %swap3A_326 = arith.index_cast %swap3A_325 : i32 to index
      %swap3A_327 = arith.index_cast %multiple_of3A_177 : i32 to index
      %swap3A_328 = tpu.vector_load %arg6[%swap3A_326, %swap3A_327] {strides = array<i32>} : memref<32x1024xf32, #tpu.memory_space<vmem>>, vector<1x16xf32>,
      %swap3A_329 = vector.shape_cast %swap3A_328 : vector<1x16xf32> to vector<16xf32>
      %swap3A_330 = vector.shape_cast %get3A_181 : vector<16xf32> to vector<1x16xf32>
      tpu.vector_store %arg6[%swap3A_326, %swap3A_327], %swap3A_330 {strides = array<i32>} : memref<32x1024xf32, #tpu.memory_space<vmem>>, vector<1x16xf32>,
      %swap3A_331 = arith.constant 25 : i32
      %swap3A_332 = arith.index_cast %swap3A_331 : i32 to index
      %swap3A_333 = arith.index_cast %multiple_of3A_177 : i32 to index
      %swap3A_334 = tpu.vector_load %arg6[%swap3A_332, %swap3A_333] {strides = array<i32>} : memref<32x1024xf32, #tpu.memory_space<vmem>>, vector<1x16xf32>,
      %swap3A_335 = vector.shape_cast %swap3A_334 : vector<1x16xf32> to vector<16xf32>
      %swap3A_336 = vector.shape_cast %get3A_181 : vector<16xf32> to vector<1x16xf32>
      tpu.vector_store %arg6[%swap3A_332, %swap3A_333], %swap3A_336 {strides = array<i32>} : memref<32x1024xf32, #tpu.memory_space<vmem>>, vector<1x16xf32>,
      %swap3A_337 = arith.constant 26 : i32
      %swap3A_338 = arith.index_cast %swap3A_337 : i32 to index
      %swap3A_339 = arith.index_cast %multiple_of3A_177 : i32 to index
      %swap3A_340 = tpu.vector_load %arg6[%swap3A_338, %swap3A_339] {strides = array<i32>} : memref<32x1024xf32, #tpu.memory_space<vmem>>, vector<1x16xf32>,
      %swap3A_341 = vector.shape_cast %swap3A_340 : vector<1x16xf32> to vector<16xf32>
      %swap3A_342 = vector.shape_cast %get3A_181 : vector<16xf32> to vector<1x16xf32>
      tpu.vector_store %arg6[%swap3A_338, %swap3A_339], %swap3A_342 {strides = array<i32>} : memref<32x1024xf32, #tpu.memory_space<vmem>>, vector<1x16xf32>,
      %swap3A_343 = arith.constant 27 : i32
      %swap3A_344 = arith.index_cast %swap3A_343 : i32 to index
      %swap3A_345 = arith.index_cast %multiple_of3A_177 : i32 to index
      %swap3A_346 = tpu.vector_load %arg6[%swap3A_344, %swap3A_345] {strides = array<i32>} : memref<32x1024xf32, #tpu.memory_space<vmem>>, vector<1x16xf32>,
      %swap3A_347 = vector.shape_cast %swap3A_346 : vector<1x16xf32> to vector<16xf32>
      %swap3A_348 = vector.shape_cast %get3A_181 : vector<16xf32> to vector<1x16xf32>
      tpu.vector_store %arg6[%swap3A_344, %swap3A_345], %swap3A_348 {strides = array<i32>} : memref<32x1024xf32, #tpu.memory_space<vmem>>, vector<1x16xf32>,
      %swap3A_349 = arith.constant 28 : i32
      %swap3A_350 = arith.index_cast %swap3A_349 : i32 to index
      %swap3A_351 = arith.index_cast %multiple_of3A_177 : i32 to index
      %swap3A_352 = tpu.vector_load %arg6[%swap3A_350, %swap3A_351] {strides = array<i32>} : memref<32x1024xf32, #tpu.memory_space<vmem>>, vector<1x16xf32>,
      %swap3A_353 = vector.shape_cast %swap3A_352 : vector<1x16xf32> to vector<16xf32>
      %swap3A_354 = vector.shape_cast %get3A_181 : vector<16xf32> to vector<1x16xf32>
      tpu.vector_store %arg6[%swap3A_350, %swap3A_351], %swap3A_354 {strides = array<i32>} : memref<32x1024xf32, #tpu.memory_space<vmem>>, vector<1x16xf32>,
      %swap3A_355 = arith.constant 29 : i32
      %swap3A_356 = arith.index_cast %swap3A_355 : i32 to index
      %swap3A_357 = arith.index_cast %multiple_of3A_177 : i32 to index
      %swap3A_358 = tpu.vector_load %arg6[%swap3A_356, %swap3A_357] {strides = array<i32>} : memref<32x1024xf32, #tpu.memory_space<vmem>>, vector<1x16xf32>,
      %swap3A_359 = vector.shape_cast %swap3A_358 : vector<1x16xf32> to vector<16xf32>
      %swap3A_360 = vector.shape_cast %get3A_181 : vector<16xf32> to vector<1x16xf32>
      tpu.vector_store %arg6[%swap3A_356, %swap3A_357], %swap3A_360 {strides = array<i32>} : memref<32x1024xf32, #tpu.memory_space<vmem>>, vector<1x16xf32>,
      %swap3A_361 = arith.constant 30 : i32
      %swap3A_362 = arith.index_cast %swap3A_361 : i32 to index
      %swap3A_363 = arith.index_cast %multiple_of3A_177 : i32 to index
      %swap3A_364 = tpu.vector_load %arg6[%swap3A_362, %swap3A_363] {strides = array<i32>} : memref<32x1024xf32, #tpu.memory_space<vmem>>, vector<1x16xf32>,
      %swap3A_365 = vector.shape_cast %swap3A_364 : vector<1x16xf32> to vector<16xf32>
      %swap3A_366 = vector.shape_cast %get3A_181 : vector<16xf32> to vector<1x16xf32>
      tpu.vector_store %arg6[%swap3A_362, %swap3A_363], %swap3A_366 {strides = array<i32>} : memref<32x1024xf32, #tpu.memory_space<vmem>>, vector<1x16xf32>,
      %swap3A_367 = arith.constant 31 : i32
      %swap3A_368 = arith.index_cast %swap3A_367 : i32 to index
      %swap3A_369 = arith.index_cast %multiple_of3A_177 : i32 to index
      %swap3A_370 = tpu.vector_load %arg6[%swap3A_368, %swap3A_369] {strides = array<i32>} : memref<32x1024xf32, #tpu.memory_space<vmem>>, vector<1x16xf32>,
      %swap3A_371 = vector.shape_cast %swap3A_370 : vector<1x16xf32> to vector<16xf32>
      %swap3A_372 = vector.shape_cast %get3A_181 : vector<16xf32> to vector<1x16xf32>
      tpu.vector_store %arg6[%swap3A_368, %swap3A_369], %swap3A_372 {strides = array<i32>} : memref<32x1024xf32, #tpu.memory_space<vmem>>, vector<1x16xf32>,
      %scan3A_373 = arith.constant 0 : i32
      scf.yield %scan3A_373 : i32
    }
    %scan3A_46 = arith.constant 64 : i32
    %dma_start3A_47 = arith.constant 0 : i32
    %dma_start3A_48 = tpu.memref_slice %arg4[%multiple_of3A, %dma_start3A_47] : memref<4096x2048xf32, #tpu.memory_space<hbm>> -> memref<32x1024xf32, #tpu.memory_space<hbm>>
    %dma_start3A_49 = arith.constant 0 : i32
    %dma_start3A_50 = tpu.memref_slice %arg4[%multiple_of3A, %dma_start3A_49] : memref<4096x2048xf32, #tpu.memory_space<hbm>> -> memref<32x1024xf32, #tpu.memory_space<hbm>>
    tpu.enqueue_dma source(%arg6 : memref<32x1024xf32, #tpu.memory_space<vmem>>) target(%dma_start3A_50 : memref<32x1024xf32, #tpu.memory_space<hbm>>) target_semaphore(%arg13 : memref<!tpu.dma_semaphore, #tpu.memory_space<semaphore_mem>>)
    %add3A_51 = arith.constant 32 : i32
    %add3A_52 = arith.addi %multiple_of3A, %add3A_51 : i32
    %dma_start3A_53 = arith.constant 0 : i32
    %dma_start3A_54 = tpu.memref_slice %arg4[%add3A_52, %dma_start3A_53] : memref<4096x2048xf32, #tpu.memory_space<hbm>> -> memref<32x1024xf32, #tpu.memory_space<hbm>>
    %dma_start3A_55 = arith.constant 0 : i32
    %dma_start3A_56 = tpu.memref_slice %arg4[%add3A_52, %dma_start3A_55] : memref<4096x2048xf32, #tpu.memory_space<hbm>> -> memref<32x1024xf32, #tpu.memory_space<hbm>>
    tpu.enqueue_dma source(%arg6 : memref<32x1024xf32, #tpu.memory_space<vmem>>) target(%dma_start3A_56 : memref<32x1024xf32, #tpu.memory_space<hbm>>) target_semaphore(%arg13 : memref<!tpu.dma_semaphore, #tpu.memory_space<semaphore_mem>>)
    %barrier3A = arith.constant 0 : index
    tpu.barrier barrier_id(%barrier3A)
    %dma_start3A_57 = arith.constant 0 : i32
    %dma_start3A_58 = arith.constant 0 : i32
    %dma_start3A_59 = tpu.memref_slice %arg9[%dma_start3A_57, %dma_start3A_58] : memref<64x1024xf32, #tpu.memory_space<vmem_shared>> -> memref<32x1024xf32, #tpu.memory_space<vmem_shared>>
    %dma_start3A_60 = arith.constant 0 : i32
    %dma_start3A_61 = arith.constant 0 : i32
    %dma_start3A_62 = tpu.memref_slice %arg9[%dma_start3A_60, %dma_start3A_61] : memref<64x1024xf32, #tpu.memory_space<vmem_shared>> -> memref<32x1024xf32, #tpu.memory_space<vmem_shared>>
    tpu.enqueue_dma source(%dma_start3A_62 : memref<32x1024xf32, #tpu.memory_space<vmem_shared>>) target(%arg8 : memref<32x1024xf32, #tpu.memory_space<vmem>>) target_semaphore(%arg10 : memref<!tpu.dma_semaphore, #tpu.memory_space<semaphore_mem>>)
    %dma_wait3A_63 = arith.constant 0 : i32
    %dma_wait3A_64 = arith.constant 0 : i32
    %dma_wait3A_65 = tpu.memref_slice %arg9[%dma_wait3A_63, %dma_wait3A_64] : memref<64x1024xf32, #tpu.memory_space<vmem_shared>> -> memref<32x1024xf32, #tpu.memory_space<vmem_shared>>
    %dma_wait3A_66 = arith.constant 0 : i32
    %dma_wait3A_67 = arith.constant 0 : i32
    %dma_wait3A_68 = tpu.memref_slice %arg9[%dma_wait3A_66, %dma_wait3A_67] : memref<64x1024xf32, #tpu.memory_space<vmem_shared>> -> memref<32x1024xf32, #tpu.memory_space<vmem_shared>>
    tpu.wait_dma2 semaphore(%arg10 : memref<!tpu.dma_semaphore, #tpu.memory_space<semaphore_mem>>) src(%dma_wait3A_68 : memref<32x1024xf32, #tpu.memory_space<vmem_shared>>) dst(%arg8 : memref<32x1024xf32, #tpu.memory_space<vmem>>)
    %mul3A_69 = arith.constant 2 : i32
    %mul3A_70 = arith.muli %mul3A_69, %add3A : i32
    %add3A_71 = arith.constant 0 : i32
    %add3A_72 = arith.addi %mul3A_70, %add3A_71 : i32
    %mul3A_73 = arith.constant 64 : i32
    %mul3A_74 = arith.muli %add3A_72, %mul3A_73 : i32
    %multiple_of3A_75 = tpu.assume_multiple %mul3A_74, 64 : i32
    %dma_start3A_76 = arith.constant 1024 : i32
    %dma_start3A_77 = tpu.memref_slice %arg4[%multiple_of3A_75, %dma_start3A_76] : memref<4096x2048xf32, #tpu.memory_space<hbm>> -> memref<32x1024xf32, #tpu.memory_space<hbm>>
    %dma_start3A_78 = arith.constant 1024 : i32
    %dma_start3A_79 = tpu.memref_slice %arg4[%multiple_of3A_75, %dma_start3A_78] : memref<4096x2048xf32, #tpu.memory_space<hbm>> -> memref<32x1024xf32, #tpu.memory_space<hbm>>
    tpu.enqueue_dma source(%arg8 : memref<32x1024xf32, #tpu.memory_space<vmem>>) target(%dma_start3A_79 : memref<32x1024xf32, #tpu.memory_space<hbm>>) target_semaphore(%arg14 : memref<!tpu.dma_semaphore, #tpu.memory_space<semaphore_mem>>)
    %add3A_80 = arith.constant 32 : i32
    %add3A_81 = arith.addi %multiple_of3A_75, %add3A_80 : i32
    %dma_start3A_82 = arith.constant 1024 : i32
    %dma_start3A_83 = tpu.memref_slice %arg4[%add3A_81, %dma_start3A_82] : memref<4096x2048xf32, #tpu.memory_space<hbm>> -> memref<32x1024xf32, #tpu.memory_space<hbm>>
    %dma_start3A_84 = arith.constant 32 : i32
    %dma_start3A_85 = arith.constant 0 : i32
    %dma_start3A_86 = tpu.memref_slice %arg9[%dma_start3A_84, %dma_start3A_85] : memref<64x1024xf32, #tpu.memory_space<vmem_shared>> -> memref<32x1024xf32, #tpu.memory_space<vmem_shared>>
    tpu.enqueue_dma source(%dma_start3A_86 : memref<32x1024xf32, #tpu.memory_space<vmem_shared>>) target(%dma_start3A_83 : memref<32x1024xf32, #tpu.memory_space<hbm>>) target_semaphore(%arg14 : memref<!tpu.dma_semaphore, #tpu.memory_space<semaphore_mem>>)
    %mul3A_87 = arith.constant 2 : i32
    %mul3A_88 = arith.muli %mul3A_87, %add3A : i32
    %add3A_89 = arith.constant 1 : i32
    %add3A_90 = arith.addi %mul3A_88, %add3A_89 : i32
    %mul3A_91 = arith.constant 64 : i32
    %mul3A_92 = arith.muli %add3A_90, %mul3A_91 : i32
    %multiple_of3A_93 = tpu.assume_multiple %mul3A_92, 64 : i32
    %dma_start3A_94 = arith.constant 1024 : i32
    %dma_start3A_95 = tpu.memref_slice %arg4[%multiple_of3A_93, %dma_start3A_94] : memref<4096x2048xf32, #tpu.memory_space<hbm>> -> memref<32x1024xf32, #tpu.memory_space<hbm>>
    %dma_start3A_96 = arith.constant 1024 : i32
    %dma_start3A_97 = tpu.memref_slice %arg4[%multiple_of3A_93, %dma_start3A_96] : memref<4096x2048xf32, #tpu.memory_space<hbm>> -> memref<32x1024xf32, #tpu.memory_space<hbm>>
    tpu.enqueue_dma source(%arg8 : memref<32x1024xf32, #tpu.memory_space<vmem>>) target(%dma_start3A_97 : memref<32x1024xf32, #tpu.memory_space<hbm>>) target_semaphore(%arg14 : memref<!tpu.dma_semaphore, #tpu.memory_space<semaphore_mem>>)
    %add3A_98 = arith.constant 32 : i32
    %add3A_99 = arith.addi %multiple_of3A_93, %add3A_98 : i32
    %dma_start3A_100 = arith.constant 1024 : i32
    %dma_start3A_101 = tpu.memref_slice %arg4[%add3A_99, %dma_start3A_100] : memref<4096x2048xf32, #tpu.memory_space<hbm>> -> memref<32x1024xf32, #tpu.memory_space<hbm>>
    %dma_start3A_102 = arith.constant 32 : i32
    %dma_start3A_103 = arith.constant 0 : i32
    %dma_start3A_104 = tpu.memref_slice %arg9[%dma_start3A_102, %dma_start3A_103] : memref<64x1024xf32, #tpu.memory_space<vmem_shared>> -> memref<32x1024xf32, #tpu.memory_space<vmem_shared>>
    tpu.enqueue_dma source(%dma_start3A_104 : memref<32x1024xf32, #tpu.memory_space<vmem_shared>>) target(%dma_start3A_101 : memref<32x1024xf32, #tpu.memory_space<hbm>>) target_semaphore(%arg14 : memref<!tpu.dma_semaphore, #tpu.memory_space<semaphore_mem>>)
    %mul3A_105 = arith.constant 2 : i32
    %mul3A_106 = arith.muli %mul3A_105, %add3A : i32
    %add3A_107 = arith.constant 1 : i32
    %add3A_108 = arith.addi %mul3A_106, %add3A_107 : i32
    %mul3A_109 = arith.constant 64 : i32
    %mul3A_110 = arith.muli %add3A_108, %mul3A_109 : i32
    %multiple_of3A_111 = tpu.assume_multiple %mul3A_110, 64 : i32
    %dma_wait3A_112 = arith.constant 1 : i32
    %dma_wait3A_113 = arith.constant 0 : i32
    %dma_wait3A_114 = tpu.memref_slice %arg5[%dma_wait3A_112, %dma_wait3A_113] : memref<2x1024xf32, #tpu.memory_space<vmem>> -> memref<1x1024xf32, #tpu.memory_space<vmem>>
    %dma_wait3A_115 = arith.constant 0 : i32
    %dma_wait3A_116 = tpu.memref_slice %arg2[%add3A_15, %dma_wait3A_115] : memref<64x1024xf32, #tpu.memory_space<hbm>> -> memref<1x1024xf32, #tpu.memory_space<hbm>>
    %dma_wait3A_117 = arith.constant 1 : i32
    %dma_wait3A_118 = arith.constant 0 : i32
    %dma_wait3A_119 = tpu.memref_slice %arg5[%dma_wait3A_117, %dma_wait3A_118] : memref<2x1024xf32, #tpu.memory_space<vmem>> -> memref<1x1024xf32, #tpu.memory_space<vmem>>
    %dma_wait3A_120 = arith.constant 0 : i32
    %dma_wait3A_121 = tpu.memref_slice %arg2[%add3A_15, %dma_wait3A_120] : memref<64x1024xf32, #tpu.memory_space<hbm>> -> memref<1x1024xf32, #tpu.memory_space<hbm>>
    tpu.wait_dma2 semaphore(%arg12 : memref<!tpu.dma_semaphore, #tpu.memory_space<semaphore_mem>>) src(%dma_wait3A_121 : memref<1x1024xf32, #tpu.memory_space<hbm>>) dst(%dma_wait3A_119 : memref<1x1024xf32, #tpu.memory_space<vmem>>)
    %scan3A_122 = arith.constant 0 : i32
    %scan3A_123 = arith.constant 0 : i32
    %scan3A_124 = arith.constant 64 : i32
    %scan3A_125 = arith.addi %scan3A_123, %scan3A_124 : i32
    %scan3A_126 = arith.constant 1 : i32
    %scan3A_127 = scf.for %scan3A_173 = %scan3A_123 to %scan3A_125 step %scan3A_126 iter_args(%scan3A_174 = %scan3A_122) -> (i32)  : i32 {
      %mul3A_175 = arith.constant 16 : i32
      %mul3A_176 = arith.muli %scan3A_173, %mul3A_175 : i32
      %multiple_of3A_177 = tpu.assume_multiple %mul3A_176, 16 : i32
      %get3A = arith.constant 1 : i32
      %get3A_178 = arith.index_cast %get3A : i32 to index
      %get3A_179 = arith.index_cast %multiple_of3A_177 : i32 to index
      %get3A_180 = tpu.vector_load %arg5[%get3A_178, %get3A_179] {strides = array<i32>} : memref<2x1024xf32, #tpu.memory_space<vmem>>, vector<1x16xf32>,
      %get3A_181 = vector.shape_cast %get3A_180 : vector<1x16xf32> to vector<16xf32>
      %swap3A = arith.constant 0 : i32
      %swap3A_182 = arith.index_cast %swap3A : i32 to index
      %swap3A_183 = arith.index_cast %multiple_of3A_177 : i32 to index
      %swap3A_184 = tpu.vector_load %arg7[%swap3A_182, %swap3A_183] {strides = array<i32>} : memref<32x1024xf32, #tpu.memory_space<vmem>>, vector<1x16xf32>,
      %swap3A_185 = vector.shape_cast %swap3A_184 : vector<1x16xf32> to vector<16xf32>
      %swap3A_186 = vector.shape_cast %get3A_181 : vector<16xf32> to vector<1x16xf32>
      tpu.vector_store %arg7[%swap3A_182, %swap3A_183], %swap3A_186 {strides = array<i32>} : memref<32x1024xf32, #tpu.memory_space<vmem>>, vector<1x16xf32>,
      %swap3A_187 = arith.constant 1 : i32
      %swap3A_188 = arith.index_cast %swap3A_187 : i32 to index
      %swap3A_189 = arith.index_cast %multiple_of3A_177 : i32 to index
      %swap3A_190 = tpu.vector_load %arg7[%swap3A_188, %swap3A_189] {strides = array<i32>} : memref<32x1024xf32, #tpu.memory_space<vmem>>, vector<1x16xf32>,
      %swap3A_191 = vector.shape_cast %swap3A_190 : vector<1x16xf32> to vector<16xf32>
      %swap3A_192 = vector.shape_cast %get3A_181 : vector<16xf32> to vector<1x16xf32>
      tpu.vector_store %arg7[%swap3A_188, %swap3A_189], %swap3A_192 {strides = array<i32>} : memref<32x1024xf32, #tpu.memory_space<vmem>>, vector<1x16xf32>,
      %swap3A_193 = arith.constant 2 : i32
      %swap3A_194 = arith.index_cast %swap3A_193 : i32 to index
      %swap3A_195 = arith.index_cast %multiple_of3A_177 : i32 to index
      %swap3A_196 = tpu.vector_load %arg7[%swap3A_194, %swap3A_195] {strides = array<i32>} : memref<32x1024xf32, #tpu.memory_space<vmem>>, vector<1x16xf32>,
      %swap3A_197 = vector.shape_cast %swap3A_196 : vector<1x16xf32> to vector<16xf32>
      %swap3A_198 = vector.shape_cast %get3A_181 : vector<16xf32> to vector<1x16xf32>
      tpu.vector_store %arg7[%swap3A_194, %swap3A_195], %swap3A_198 {strides = array<i32>} : memref<32x1024xf32, #tpu.memory_space<vmem>>, vector<1x16xf32>,
      %swap3A_199 = arith.constant 3 : i32
      %swap3A_200 = arith.index_cast %swap3A_199 : i32 to index
      %swap3A_201 = arith.index_cast %multiple_of3A_177 : i32 to index
      %swap3A_202 = tpu.vector_load %arg7[%swap3A_200, %swap3A_201] {strides = array<i32>} : memref<32x1024xf32, #tpu.memory_space<vmem>>, vector<1x16xf32>,
      %swap3A_203 = vector.shape_cast %swap3A_202 : vector<1x16xf32> to vector<16xf32>
      %swap3A_204 = vector.shape_cast %get3A_181 : vector<16xf32> to vector<1x16xf32>
      tpu.vector_store %arg7[%swap3A_200, %swap3A_201], %swap3A_204 {strides = array<i32>} : memref<32x1024xf32, #tpu.memory_space<vmem>>, vector<1x16xf32>,
      %swap3A_205 = arith.constant 4 : i32
      %swap3A_206 = arith.index_cast %swap3A_205 : i32 to index
      %swap3A_207 = arith.index_cast %multiple_of3A_177 : i32 to index
      %swap3A_208 = tpu.vector_load %arg7[%swap3A_206, %swap3A_207] {strides = array<i32>} : memref<32x1024xf32, #tpu.memory_space<vmem>>, vector<1x16xf32>,
      %swap3A_209 = vector.shape_cast %swap3A_208 : vector<1x16xf32> to vector<16xf32>
      %swap3A_210 = vector.shape_cast %get3A_181 : vector<16xf32> to vector<1x16xf32>
      tpu.vector_store %arg7[%swap3A_206, %swap3A_207], %swap3A_210 {strides = array<i32>} : memref<32x1024xf32, #tpu.memory_space<vmem>>, vector<1x16xf32>,
      %swap3A_211 = arith.constant 5 : i32
      %swap3A_212 = arith.index_cast %swap3A_211 : i32 to index
      %swap3A_213 = arith.index_cast %multiple_of3A_177 : i32 to index
      %swap3A_214 = tpu.vector_load %arg7[%swap3A_212, %swap3A_213] {strides = array<i32>} : memref<32x1024xf32, #tpu.memory_space<vmem>>, vector<1x16xf32>,
      %swap3A_215 = vector.shape_cast %swap3A_214 : vector<1x16xf32> to vector<16xf32>
      %swap3A_216 = vector.shape_cast %get3A_181 : vector<16xf32> to vector<1x16xf32>
      tpu.vector_store %arg7[%swap3A_212, %swap3A_213], %swap3A_216 {strides = array<i32>} : memref<32x1024xf32, #tpu.memory_space<vmem>>, vector<1x16xf32>,
      %swap3A_217 = arith.constant 6 : i32
      %swap3A_218 = arith.index_cast %swap3A_217 : i32 to index
      %swap3A_219 = arith.index_cast %multiple_of3A_177 : i32 to index
      %swap3A_220 = tpu.vector_load %arg7[%swap3A_218, %swap3A_219] {strides = array<i32>} : memref<32x1024xf32, #tpu.memory_space<vmem>>, vector<1x16xf32>,
      %swap3A_221 = vector.shape_cast %swap3A_220 : vector<1x16xf32> to vector<16xf32>
      %swap3A_222 = vector.shape_cast %get3A_181 : vector<16xf32> to vector<1x16xf32>
      tpu.vector_store %arg7[%swap3A_218, %swap3A_219], %swap3A_222 {strides = array<i32>} : memref<32x1024xf32, #tpu.memory_space<vmem>>, vector<1x16xf32>,
      %swap3A_223 = arith.constant 7 : i32
      %swap3A_224 = arith.index_cast %swap3A_223 : i32 to index
      %swap3A_225 = arith.index_cast %multiple_of3A_177 : i32 to index
      %swap3A_226 = tpu.vector_load %arg7[%swap3A_224, %swap3A_225] {strides = array<i32>} : memref<32x1024xf32, #tpu.memory_space<vmem>>, vector<1x16xf32>,
      %swap3A_227 = vector.shape_cast %swap3A_226 : vector<1x16xf32> to vector<16xf32>
      %swap3A_228 = vector.shape_cast %get3A_181 : vector<16xf32> to vector<1x16xf32>
      tpu.vector_store %arg7[%swap3A_224, %swap3A_225], %swap3A_228 {strides = array<i32>} : memref<32x1024xf32, #tpu.memory_space<vmem>>, vector<1x16xf32>,
      %swap3A_229 = arith.constant 8 : i32
      %swap3A_230 = arith.index_cast %swap3A_229 : i32 to index
      %swap3A_231 = arith.index_cast %multiple_of3A_177 : i32 to index
      %swap3A_232 = tpu.vector_load %arg7[%swap3A_230, %swap3A_231] {strides = array<i32>} : memref<32x1024xf32, #tpu.memory_space<vmem>>, vector<1x16xf32>,
      %swap3A_233 = vector.shape_cast %swap3A_232 : vector<1x16xf32> to vector<16xf32>
      %swap3A_234 = vector.shape_cast %get3A_181 : vector<16xf32> to vector<1x16xf32>
      tpu.vector_store %arg7[%swap3A_230, %swap3A_231], %swap3A_234 {strides = array<i32>} : memref<32x1024xf32, #tpu.memory_space<vmem>>, vector<1x16xf32>,
      %swap3A_235 = arith.constant 9 : i32
      %swap3A_236 = arith.index_cast %swap3A_235 : i32 to index
      %swap3A_237 = arith.index_cast %multiple_of3A_177 : i32 to index
      %swap3A_238 = tpu.vector_load %arg7[%swap3A_236, %swap3A_237] {strides = array<i32>} : memref<32x1024xf32, #tpu.memory_space<vmem>>, vector<1x16xf32>,
      %swap3A_239 = vector.shape_cast %swap3A_238 : vector<1x16xf32> to vector<16xf32>
      %swap3A_240 = vector.shape_cast %get3A_181 : vector<16xf32> to vector<1x16xf32>
      tpu.vector_store %arg7[%swap3A_236, %swap3A_237], %swap3A_240 {strides = array<i32>} : memref<32x1024xf32, #tpu.memory_space<vmem>>, vector<1x16xf32>,
      %swap3A_241 = arith.constant 10 : i32
      %swap3A_242 = arith.index_cast %swap3A_241 : i32 to index
      %swap3A_243 = arith.index_cast %multiple_of3A_177 : i32 to index
      %swap3A_244 = tpu.vector_load %arg7[%swap3A_242, %swap3A_243] {strides = array<i32>} : memref<32x1024xf32, #tpu.memory_space<vmem>>, vector<1x16xf32>,
      %swap3A_245 = vector.shape_cast %swap3A_244 : vector<1x16xf32> to vector<16xf32>
      %swap3A_246 = vector.shape_cast %get3A_181 : vector<16xf32> to vector<1x16xf32>
      tpu.vector_store %arg7[%swap3A_242, %swap3A_243], %swap3A_246 {strides = array<i32>} : memref<32x1024xf32, #tpu.memory_space<vmem>>, vector<1x16xf32>,
      %swap3A_247 = arith.constant 11 : i32
      %swap3A_248 = arith.index_cast %swap3A_247 : i32 to index
      %swap3A_249 = arith.index_cast %multiple_of3A_177 : i32 to index
      %swap3A_250 = tpu.vector_load %arg7[%swap3A_248, %swap3A_249] {strides = array<i32>} : memref<32x1024xf32, #tpu.memory_space<vmem>>, vector<1x16xf32>,
      %swap3A_251 = vector.shape_cast %swap3A_250 : vector<1x16xf32> to vector<16xf32>
      %swap3A_252 = vector.shape_cast %get3A_181 : vector<16xf32> to vector<1x16xf32>
      tpu.vector_store %arg7[%swap3A_248, %swap3A_249], %swap3A_252 {strides = array<i32>} : memref<32x1024xf32, #tpu.memory_space<vmem>>, vector<1x16xf32>,
      %swap3A_253 = arith.constant 12 : i32
      %swap3A_254 = arith.index_cast %swap3A_253 : i32 to index
      %swap3A_255 = arith.index_cast %multiple_of3A_177 : i32 to index
      %swap3A_256 = tpu.vector_load %arg7[%swap3A_254, %swap3A_255] {strides = array<i32>} : memref<32x1024xf32, #tpu.memory_space<vmem>>, vector<1x16xf32>,
      %swap3A_257 = vector.shape_cast %swap3A_256 : vector<1x16xf32> to vector<16xf32>
      %swap3A_258 = vector.shape_cast %get3A_181 : vector<16xf32> to vector<1x16xf32>
      tpu.vector_store %arg7[%swap3A_254, %swap3A_255], %swap3A_258 {strides = array<i32>} : memref<32x1024xf32, #tpu.memory_space<vmem>>, vector<1x16xf32>,
      %swap3A_259 = arith.constant 13 : i32
      %swap3A_260 = arith.index_cast %swap3A_259 : i32 to index
      %swap3A_261 = arith.index_cast %multiple_of3A_177 : i32 to index
      %swap3A_262 = tpu.vector_load %arg7[%swap3A_260, %swap3A_261] {strides = array<i32>} : memref<32x1024xf32, #tpu.memory_space<vmem>>, vector<1x16xf32>,
      %swap3A_263 = vector.shape_cast %swap3A_262 : vector<1x16xf32> to vector<16xf32>
      %swap3A_264 = vector.shape_cast %get3A_181 : vector<16xf32> to vector<1x16xf32>
      tpu.vector_store %arg7[%swap3A_260, %swap3A_261], %swap3A_264 {strides = array<i32>} : memref<32x1024xf32, #tpu.memory_space<vmem>>, vector<1x16xf32>,
      %swap3A_265 = arith.constant 14 : i32
      %swap3A_266 = arith.index_cast %swap3A_265 : i32 to index
      %swap3A_267 = arith.index_cast %multiple_of3A_177 : i32 to index
      %swap3A_268 = tpu.vector_load %arg7[%swap3A_266, %swap3A_267] {strides = array<i32>} : memref<32x1024xf32, #tpu.memory_space<vmem>>, vector<1x16xf32>,
      %swap3A_269 = vector.shape_cast %swap3A_268 : vector<1x16xf32> to vector<16xf32>
      %swap3A_270 = vector.shape_cast %get3A_181 : vector<16xf32> to vector<1x16xf32>
      tpu.vector_store %arg7[%swap3A_266, %swap3A_267], %swap3A_270 {strides = array<i32>} : memref<32x1024xf32, #tpu.memory_space<vmem>>, vector<1x16xf32>,
      %swap3A_271 = arith.constant 15 : i32
      %swap3A_272 = arith.index_cast %swap3A_271 : i32 to index
      %swap3A_273 = arith.index_cast %multiple_of3A_177 : i32 to index
      %swap3A_274 = tpu.vector_load %arg7[%swap3A_272, %swap3A_273] {strides = array<i32>} : memref<32x1024xf32, #tpu.memory_space<vmem>>, vector<1x16xf32>,
      %swap3A_275 = vector.shape_cast %swap3A_274 : vector<1x16xf32> to vector<16xf32>
      %swap3A_276 = vector.shape_cast %get3A_181 : vector<16xf32> to vector<1x16xf32>
      tpu.vector_store %arg7[%swap3A_272, %swap3A_273], %swap3A_276 {strides = array<i32>} : memref<32x1024xf32, #tpu.memory_space<vmem>>, vector<1x16xf32>,
      %swap3A_277 = arith.constant 16 : i32
      %swap3A_278 = arith.index_cast %swap3A_277 : i32 to index
      %swap3A_279 = arith.index_cast %multiple_of3A_177 : i32 to index
      %swap3A_280 = tpu.vector_load %arg7[%swap3A_278, %swap3A_279] {strides = array<i32>} : memref<32x1024xf32, #tpu.memory_space<vmem>>, vector<1x16xf32>,
      %swap3A_281 = vector.shape_cast %swap3A_280 : vector<1x16xf32> to vector<16xf32>
      %swap3A_282 = vector.shape_cast %get3A_181 : vector<16xf32> to vector<1x16xf32>
      tpu.vector_store %arg7[%swap3A_278, %swap3A_279], %swap3A_282 {strides = array<i32>} : memref<32x1024xf32, #tpu.memory_space<vmem>>, vector<1x16xf32>,
      %swap3A_283 = arith.constant 17 : i32
      %swap3A_284 = arith.index_cast %swap3A_283 : i32 to index
      %swap3A_285 = arith.index_cast %multiple_of3A_177 : i32 to index
      %swap3A_286 = tpu.vector_load %arg7[%swap3A_284, %swap3A_285] {strides = array<i32>} : memref<32x1024xf32, #tpu.memory_space<vmem>>, vector<1x16xf32>,
      %swap3A_287 = vector.shape_cast %swap3A_286 : vector<1x16xf32> to vector<16xf32>
      %swap3A_288 = vector.shape_cast %get3A_181 : vector<16xf32> to vector<1x16xf32>
      tpu.vector_store %arg7[%swap3A_284, %swap3A_285], %swap3A_288 {strides = array<i32>} : memref<32x1024xf32, #tpu.memory_space<vmem>>, vector<1x16xf32>,
      %swap3A_289 = arith.constant 18 : i32
      %swap3A_290 = arith.index_cast %swap3A_289 : i32 to index
      %swap3A_291 = arith.index_cast %multiple_of3A_177 : i32 to index
      %swap3A_292 = tpu.vector_load %arg7[%swap3A_290, %swap3A_291] {strides = array<i32>} : memref<32x1024xf32, #tpu.memory_space<vmem>>, vector<1x16xf32>,
      %swap3A_293 = vector.shape_cast %swap3A_292 : vector<1x16xf32> to vector<16xf32>
      %swap3A_294 = vector.shape_cast %get3A_181 : vector<16xf32> to vector<1x16xf32>
      tpu.vector_store %arg7[%swap3A_290, %swap3A_291], %swap3A_294 {strides = array<i32>} : memref<32x1024xf32, #tpu.memory_space<vmem>>, vector<1x16xf32>,
      %swap3A_295 = arith.constant 19 : i32
      %swap3A_296 = arith.index_cast %swap3A_295 : i32 to index
      %swap3A_297 = arith.index_cast %multiple_of3A_177 : i32 to index
      %swap3A_298 = tpu.vector_load %arg7[%swap3A_296, %swap3A_297] {strides = array<i32>} : memref<32x1024xf32, #tpu.memory_space<vmem>>, vector<1x16xf32>,
      %swap3A_299 = vector.shape_cast %swap3A_298 : vector<1x16xf32> to vector<16xf32>
      %swap3A_300 = vector.shape_cast %get3A_181 : vector<16xf32> to vector<1x16xf32>
      tpu.vector_store %arg7[%swap3A_296, %swap3A_297], %swap3A_300 {strides = array<i32>} : memref<32x1024xf32, #tpu.memory_space<vmem>>, vector<1x16xf32>,
      %swap3A_301 = arith.constant 20 : i32
      %swap3A_302 = arith.index_cast %swap3A_301 : i32 to index
      %swap3A_303 = arith.index_cast %multiple_of3A_177 : i32 to index
      %swap3A_304 = tpu.vector_load %arg7[%swap3A_302, %swap3A_303] {strides = array<i32>} : memref<32x1024xf32, #tpu.memory_space<vmem>>, vector<1x16xf32>,
      %swap3A_305 = vector.shape_cast %swap3A_304 : vector<1x16xf32> to vector<16xf32>
      %swap3A_306 = vector.shape_cast %get3A_181 : vector<16xf32> to vector<1x16xf32>
      tpu.vector_store %arg7[%swap3A_302, %swap3A_303], %swap3A_306 {strides = array<i32>} : memref<32x1024xf32, #tpu.memory_space<vmem>>, vector<1x16xf32>,
      %swap3A_307 = arith.constant 21 : i32
      %swap3A_308 = arith.index_cast %swap3A_307 : i32 to index
      %swap3A_309 = arith.index_cast %multiple_of3A_177 : i32 to index
      %swap3A_310 = tpu.vector_load %arg7[%swap3A_308, %swap3A_309] {strides = array<i32>} : memref<32x1024xf32, #tpu.memory_space<vmem>>, vector<1x16xf32>,
      %swap3A_311 = vector.shape_cast %swap3A_310 : vector<1x16xf32> to vector<16xf32>
      %swap3A_312 = vector.shape_cast %get3A_181 : vector<16xf32> to vector<1x16xf32>
      tpu.vector_store %arg7[%swap3A_308, %swap3A_309], %swap3A_312 {strides = array<i32>} : memref<32x1024xf32, #tpu.memory_space<vmem>>, vector<1x16xf32>,
      %swap3A_313 = arith.constant 22 : i32
      %swap3A_314 = arith.index_cast %swap3A_313 : i32 to index
      %swap3A_315 = arith.index_cast %multiple_of3A_177 : i32 to index
      %swap3A_316 = tpu.vector_load %arg7[%swap3A_314, %swap3A_315] {strides = array<i32>} : memref<32x1024xf32, #tpu.memory_space<vmem>>, vector<1x16xf32>,
      %swap3A_317 = vector.shape_cast %swap3A_316 : vector<1x16xf32> to vector<16xf32>
      %swap3A_318 = vector.shape_cast %get3A_181 : vector<16xf32> to vector<1x16xf32>
      tpu.vector_store %arg7[%swap3A_314, %swap3A_315], %swap3A_318 {strides = array<i32>} : memref<32x1024xf32, #tpu.memory_space<vmem>>, vector<1x16xf32>,
      %swap3A_319 = arith.constant 23 : i32
      %swap3A_320 = arith.index_cast %swap3A_319 : i32 to index
      %swap3A_321 = arith.index_cast %multiple_of3A_177 : i32 to index
      %swap3A_322 = tpu.vector_load %arg7[%swap3A_320, %swap3A_321] {strides = array<i32>} : memref<32x1024xf32, #tpu.memory_space<vmem>>, vector<1x16xf32>,
      %swap3A_323 = vector.shape_cast %swap3A_322 : vector<1x16xf32> to vector<16xf32>
      %swap3A_324 = vector.shape_cast %get3A_181 : vector<16xf32> to vector<1x16xf32>
      tpu.vector_store %arg7[%swap3A_320, %swap3A_321], %swap3A_324 {strides = array<i32>} : memref<32x1024xf32, #tpu.memory_space<vmem>>, vector<1x16xf32>,
      %swap3A_325 = arith.constant 24 : i32
      %swap3A_326 = arith.index_cast %swap3A_325 : i32 to index
      %swap3A_327 = arith.index_cast %multiple_of3A_177 : i32 to index
      %swap3A_328 = tpu.vector_load %arg7[%swap3A_326, %swap3A_327] {strides = array<i32>} : memref<32x1024xf32, #tpu.memory_space<vmem>>, vector<1x16xf32>,
      %swap3A_329 = vector.shape_cast %swap3A_328 : vector<1x16xf32> to vector<16xf32>
      %swap3A_330 = vector.shape_cast %get3A_181 : vector<16xf32> to vector<1x16xf32>
      tpu.vector_store %arg7[%swap3A_326, %swap3A_327], %swap3A_330 {strides = array<i32>} : memref<32x1024xf32, #tpu.memory_space<vmem>>, vector<1x16xf32>,
      %swap3A_331 = arith.constant 25 : i32
      %swap3A_332 = arith.index_cast %swap3A_331 : i32 to index
      %swap3A_333 = arith.index_cast %multiple_of3A_177 : i32 to index
      %swap3A_334 = tpu.vector_load %arg7[%swap3A_332, %swap3A_333] {strides = array<i32>} : memref<32x1024xf32, #tpu.memory_space<vmem>>, vector<1x16xf32>,
      %swap3A_335 = vector.shape_cast %swap3A_334 : vector<1x16xf32> to vector<16xf32>
      %swap3A_336 = vector.shape_cast %get3A_181 : vector<16xf32> to vector<1x16xf32>
      tpu.vector_store %arg7[%swap3A_332, %swap3A_333], %swap3A_336 {strides = array<i32>} : memref<32x1024xf32, #tpu.memory_space<vmem>>, vector<1x16xf32>,
      %swap3A_337 = arith.constant 26 : i32
      %swap3A_338 = arith.index_cast %swap3A_337 : i32 to index
      %swap3A_339 = arith.index_cast %multiple_of3A_177 : i32 to index
      %swap3A_340 = tpu.vector_load %arg7[%swap3A_338, %swap3A_339] {strides = array<i32>} : memref<32x1024xf32, #tpu.memory_space<vmem>>, vector<1x16xf32>,
      %swap3A_341 = vector.shape_cast %swap3A_340 : vector<1x16xf32> to vector<16xf32>
      %swap3A_342 = vector.shape_cast %get3A_181 : vector<16xf32> to vector<1x16xf32>
      tpu.vector_store %arg7[%swap3A_338, %swap3A_339], %swap3A_342 {strides = array<i32>} : memref<32x1024xf32, #tpu.memory_space<vmem>>, vector<1x16xf32>,
      %swap3A_343 = arith.constant 27 : i32
      %swap3A_344 = arith.index_cast %swap3A_343 : i32 to index
      %swap3A_345 = arith.index_cast %multiple_of3A_177 : i32 to index
      %swap3A_346 = tpu.vector_load %arg7[%swap3A_344, %swap3A_345] {strides = array<i32>} : memref<32x1024xf32, #tpu.memory_space<vmem>>, vector<1x16xf32>,
      %swap3A_347 = vector.shape_cast %swap3A_346 : vector<1x16xf32> to vector<16xf32>
      %swap3A_348 = vector.shape_cast %get3A_181 : vector<16xf32> to vector<1x16xf32>
      tpu.vector_store %arg7[%swap3A_344, %swap3A_345], %swap3A_348 {strides = array<i32>} : memref<32x1024xf32, #tpu.memory_space<vmem>>, vector<1x16xf32>,
      %swap3A_349 = arith.constant 28 : i32
      %swap3A_350 = arith.index_cast %swap3A_349 : i32 to index
      %swap3A_351 = arith.index_cast %multiple_of3A_177 : i32 to index
      %swap3A_352 = tpu.vector_load %arg7[%swap3A_350, %swap3A_351] {strides = array<i32>} : memref<32x1024xf32, #tpu.memory_space<vmem>>, vector<1x16xf32>,
      %swap3A_353 = vector.shape_cast %swap3A_352 : vector<1x16xf32> to vector<16xf32>
      %swap3A_354 = vector.shape_cast %get3A_181 : vector<16xf32> to vector<1x16xf32>
      tpu.vector_store %arg7[%swap3A_350, %swap3A_351], %swap3A_354 {strides = array<i32>} : memref<32x1024xf32, #tpu.memory_space<vmem>>, vector<1x16xf32>,
      %swap3A_355 = arith.constant 29 : i32
      %swap3A_356 = arith.index_cast %swap3A_355 : i32 to index
      %swap3A_357 = arith.index_cast %multiple_of3A_177 : i32 to index
      %swap3A_358 = tpu.vector_load %arg7[%swap3A_356, %swap3A_357] {strides = array<i32>} : memref<32x1024xf32, #tpu.memory_space<vmem>>, vector<1x16xf32>,
      %swap3A_359 = vector.shape_cast %swap3A_358 : vector<1x16xf32> to vector<16xf32>
      %swap3A_360 = vector.shape_cast %get3A_181 : vector<16xf32> to vector<1x16xf32>
      tpu.vector_store %arg7[%swap3A_356, %swap3A_357], %swap3A_360 {strides = array<i32>} : memref<32x1024xf32, #tpu.memory_space<vmem>>, vector<1x16xf32>,
      %swap3A_361 = arith.constant 30 : i32
      %swap3A_362 = arith.index_cast %swap3A_361 : i32 to index
      %swap3A_363 = arith.index_cast %multiple_of3A_177 : i32 to index
      %swap3A_364 = tpu.vector_load %arg7[%swap3A_362, %swap3A_363] {strides = array<i32>} : memref<32x1024xf32, #tpu.memory_space<vmem>>, vector<1x16xf32>,
      %swap3A_365 = vector.shape_cast %swap3A_364 : vector<1x16xf32> to vector<16xf32>
      %swap3A_366 = vector.shape_cast %get3A_181 : vector<16xf32> to vector<1x16xf32>
      tpu.vector_store %arg7[%swap3A_362, %swap3A_363], %swap3A_366 {strides = array<i32>} : memref<32x1024xf32, #tpu.memory_space<vmem>>, vector<1x16xf32>,
      %swap3A_367 = arith.constant 31 : i32
      %swap3A_368 = arith.index_cast %swap3A_367 : i32 to index
      %swap3A_369 = arith.index_cast %multiple_of3A_177 : i32 to index
      %swap3A_370 = tpu.vector_load %arg7[%swap3A_368, %swap3A_369] {strides = array<i32>} : memref<32x1024xf32, #tpu.memory_space<vmem>>, vector<1x16xf32>,
      %swap3A_371 = vector.shape_cast %swap3A_370 : vector<1x16xf32> to vector<16xf32>
      %swap3A_372 = vector.shape_cast %get3A_181 : vector<16xf32> to vector<1x16xf32>
      tpu.vector_store %arg7[%swap3A_368, %swap3A_369], %swap3A_372 {strides = array<i32>} : memref<32x1024xf32, #tpu.memory_space<vmem>>, vector<1x16xf32>,
      %scan3A_373 = arith.constant 0 : i32
      scf.yield %scan3A_373 : i32
    }
    %scan3A_128 = arith.constant 64 : i32
    %dma_start3A_129 = arith.constant 0 : i32
    %dma_start3A_130 = tpu.memref_slice %arg4[%multiple_of3A_111, %dma_start3A_129] : memref<4096x2048xf32, #tpu.memory_space<hbm>> -> memref<32x1024xf32, #tpu.memory_space<hbm>>
    %dma_start3A_131 = arith.constant 0 : i32
    %dma_start3A_132 = tpu.memref_slice %arg4[%multiple_of3A_111, %dma_start3A_131] : memref<4096x2048xf32, #tpu.memory_space<hbm>> -> memref<32x1024xf32, #tpu.memory_space<hbm>>
    tpu.enqueue_dma source(%arg7 : memref<32x1024xf32, #tpu.memory_space<vmem>>) target(%dma_start3A_132 : memref<32x1024xf32, #tpu.memory_space<hbm>>) target_semaphore(%arg13 : memref<!tpu.dma_semaphore, #tpu.memory_space<semaphore_mem>>)
    %add3A_133 = arith.constant 32 : i32
    %add3A_134 = arith.addi %multiple_of3A_111, %add3A_133 : i32
    %dma_start3A_135 = arith.constant 0 : i32
    %dma_start3A_136 = tpu.memref_slice %arg4[%add3A_134, %dma_start3A_135] : memref<4096x2048xf32, #tpu.memory_space<hbm>> -> memref<32x1024xf32, #tpu.memory_space<hbm>>
    %dma_start3A_137 = arith.constant 0 : i32
    %dma_start3A_138 = tpu.memref_slice %arg4[%add3A_134, %dma_start3A_137] : memref<4096x2048xf32, #tpu.memory_space<hbm>> -> memref<32x1024xf32, #tpu.memory_space<hbm>>
    tpu.enqueue_dma source(%arg7 : memref<32x1024xf32, #tpu.memory_space<vmem>>) target(%dma_start3A_138 : memref<32x1024xf32, #tpu.memory_space<hbm>>) target_semaphore(%arg13 : memref<!tpu.dma_semaphore, #tpu.memory_space<semaphore_mem>>)
    %dma_wait3A_139 = arith.constant 0 : i32
    %dma_wait3A_140 = tpu.memref_slice %arg4[%multiple_of3A, %dma_wait3A_139] : memref<4096x2048xf32, #tpu.memory_space<hbm>> -> memref<32x1024xf32, #tpu.memory_space<hbm>>
    %dma_wait3A_141 = arith.constant 0 : i32
    %dma_wait3A_142 = tpu.memref_slice %arg4[%multiple_of3A, %dma_wait3A_141] : memref<4096x2048xf32, #tpu.memory_space<hbm>> -> memref<32x1024xf32, #tpu.memory_space<hbm>>
    tpu.wait_dma2 semaphore(%arg13 : memref<!tpu.dma_semaphore, #tpu.memory_space<semaphore_mem>>) src(%arg6 : memref<32x1024xf32, #tpu.memory_space<vmem>>) dst(%dma_wait3A_142 : memref<32x1024xf32, #tpu.memory_space<hbm>>)
    %dma_wait3A_143 = arith.constant 0 : i32
    %dma_wait3A_144 = tpu.memref_slice %arg4[%add3A_52, %dma_wait3A_143] : memref<4096x2048xf32, #tpu.memory_space<hbm>> -> memref<32x1024xf32, #tpu.memory_space<hbm>>
    %dma_wait3A_145 = arith.constant 0 : i32
    %dma_wait3A_146 = tpu.memref_slice %arg4[%add3A_52, %dma_wait3A_145] : memref<4096x2048xf32, #tpu.memory_space<hbm>> -> memref<32x1024xf32, #tpu.memory_space<hbm>>
    tpu.wait_dma2 semaphore(%arg13 : memref<!tpu.dma_semaphore, #tpu.memory_space<semaphore_mem>>) src(%arg6 : memref<32x1024xf32, #tpu.memory_space<vmem>>) dst(%dma_wait3A_146 : memref<32x1024xf32, #tpu.memory_space<hbm>>)
    %dma_wait3A_147 = arith.constant 0 : i32
    %dma_wait3A_148 = tpu.memref_slice %arg4[%multiple_of3A_111, %dma_wait3A_147] : memref<4096x2048xf32, #tpu.memory_space<hbm>> -> memref<32x1024xf32, #tpu.memory_space<hbm>>
    %dma_wait3A_149 = arith.constant 0 : i32
    %dma_wait3A_150 = tpu.memref_slice %arg4[%multiple_of3A_111, %dma_wait3A_149] : memref<4096x2048xf32, #tpu.memory_space<hbm>> -> memref<32x1024xf32, #tpu.memory_space<hbm>>
    tpu.wait_dma2 semaphore(%arg13 : memref<!tpu.dma_semaphore, #tpu.memory_space<semaphore_mem>>) src(%arg7 : memref<32x1024xf32, #tpu.memory_space<vmem>>) dst(%dma_wait3A_150 : memref<32x1024xf32, #tpu.memory_space<hbm>>)
    %dma_wait3A_151 = arith.constant 0 : i32
    %dma_wait3A_152 = tpu.memref_slice %arg4[%add3A_134, %dma_wait3A_151] : memref<4096x2048xf32, #tpu.memory_space<hbm>> -> memref<32x1024xf32, #tpu.memory_space<hbm>>
    %dma_wait3A_153 = arith.constant 0 : i32
    %dma_wait3A_154 = tpu.memref_slice %arg4[%add3A_134, %dma_wait3A_153] : memref<4096x2048xf32, #tpu.memory_space<hbm>> -> memref<32x1024xf32, #tpu.memory_space<hbm>>
    tpu.wait_dma2 semaphore(%arg13 : memref<!tpu.dma_semaphore, #tpu.memory_space<semaphore_mem>>) src(%arg7 : memref<32x1024xf32, #tpu.memory_space<vmem>>) dst(%dma_wait3A_154 : memref<32x1024xf32, #tpu.memory_space<hbm>>)
    %dma_wait3A_155 = arith.constant 1024 : i32
    %dma_wait3A_156 = tpu.memref_slice %arg4[%multiple_of3A_75, %dma_wait3A_155] : memref<4096x2048xf32, #tpu.memory_space<hbm>> -> memref<32x1024xf32, #tpu.memory_space<hbm>>
    %dma_wait3A_157 = arith.constant 1024 : i32
    %dma_wait3A_158 = tpu.memref_slice %arg4[%multiple_of3A_75, %dma_wait3A_157] : memref<4096x2048xf32, #tpu.memory_space<hbm>> -> memref<32x1024xf32, #tpu.memory_space<hbm>>
    tpu.wait_dma2 semaphore(%arg14 : memref<!tpu.dma_semaphore, #tpu.memory_space<semaphore_mem>>) src(%arg8 : memref<32x1024xf32, #tpu.memory_space<vmem>>) dst(%dma_wait3A_158 : memref<32x1024xf32, #tpu.memory_space<hbm>>)
    %dma_wait3A_159 = arith.constant 1024 : i32
    %dma_wait3A_160 = tpu.memref_slice %arg4[%add3A_81, %dma_wait3A_159] : memref<4096x2048xf32, #tpu.memory_space<hbm>> -> memref<32x1024xf32, #tpu.memory_space<hbm>>
    %dma_wait3A_161 = arith.constant 32 : i32
    %dma_wait3A_162 = arith.constant 0 : i32
    %dma_wait3A_163 = tpu.memref_slice %arg9[%dma_wait3A_161, %dma_wait3A_162] : memref<64x1024xf32, #tpu.memory_space<vmem_shared>> -> memref<32x1024xf32, #tpu.memory_space<vmem_shared>>
    tpu.wait_dma2 semaphore(%arg14 : memref<!tpu.dma_semaphore, #tpu.memory_space<semaphore_mem>>) src(%dma_wait3A_163 : memref<32x1024xf32, #tpu.memory_space<vmem_shared>>) dst(%dma_wait3A_160 : memref<32x1024xf32, #tpu.memory_space<hbm>>)
    %dma_wait3A_164 = arith.constant 1024 : i32
    %dma_wait3A_165 = tpu.memref_slice %arg4[%multiple_of3A_93, %dma_wait3A_164] : memref<4096x2048xf32, #tpu.memory_space<hbm>> -> memref<32x1024xf32, #tpu.memory_space<hbm>>
    %dma_wait3A_166 = arith.constant 1024 : i32
    %dma_wait3A_167 = tpu.memref_slice %arg4[%multiple_of3A_93, %dma_wait3A_166] : memref<4096x2048xf32, #tpu.memory_space<hbm>> -> memref<32x1024xf32, #tpu.memory_space<hbm>>
    tpu.wait_dma2 semaphore(%arg14 : memref<!tpu.dma_semaphore, #tpu.memory_space<semaphore_mem>>) src(%arg8 : memref<32x1024xf32, #tpu.memory_space<vmem>>) dst(%dma_wait3A_167 : memref<32x1024xf32, #tpu.memory_space<hbm>>)
    %dma_wait3A_168 = arith.constant 1024 : i32
    %dma_wait3A_169 = tpu.memref_slice %arg4[%add3A_99, %dma_wait3A_168] : memref<4096x2048xf32, #tpu.memory_space<hbm>> -> memref<32x1024xf32, #tpu.memory_space<hbm>>
    %dma_wait3A_170 = arith.constant 32 : i32
    %dma_wait3A_171 = arith.constant 0 : i32
    %dma_wait3A_172 = tpu.memref_slice %arg9[%dma_wait3A_170, %dma_wait3A_171] : memref<64x1024xf32, #tpu.memory_space<vmem_shared>> -> memref<32x1024xf32, #tpu.memory_space<vmem_shared>>
    tpu.wait_dma2 semaphore(%arg14 : memref<!tpu.dma_semaphore, #tpu.memory_space<semaphore_mem>>) src(%dma_wait3A_172 : memref<32x1024xf32, #tpu.memory_space<vmem_shared>>) dst(%dma_wait3A_169 : memref<32x1024xf32, #tpu.memory_space<hbm>>)
    return
  }
}

</mosaic_0001>

<sc_bundles>
// kernel: kernel.3.cloned.1.call-start
scs
__scs_entry_jumppad:
0x0: {  	(pc) =	sbr.rel $0x88, $3  }
0x1: {  	(tag) =	ssettag $0x0;
	lr =	simm.s32 $0x1  }
0x2: {  	[smem:$0x3F9F] =	sst lr;
	_ =	strace $0xD0000000  }
0x3: {  	_ = 	snop  }
0x4: {  	_ = 	snop  }
0x5: {  	_ = 	snop  }
0x6: {  	_ = 	snop  }
0x7: {  	_ = 	snop  }
__scs_overlays_trampoline_lowered:
0x8: {  	[smem:$0x3FAE] =	sst s0  }
0x9: {  	[smem:$0x3FAF] =	sst s1  }
0xa: {  	[smem:$0x3FB0] =	sst s2  }
0xb: {  	[smem:$0x3FB1] =	sst s3  }
0xc: {  	[smem:$0x3FB2] =	sst s4  }
0xd: {  	[smem:$0x3FB3] =	sst s5  }
0xe: {  	[smem:$0x3FB4] =	sst s6  }
0xf: {  	[smem:$0x3FB5] =	sst s7  }
0x10: {  	[smem:$0x3FB6] =	sst s8  }
0x11: {  	[smem:$0x3FB7] =	sst s9;
	s0 =	simm.s32 @!p0 $0x0  }
0x12: {  	s1 =	sld [smem:$0x3F9D];
	s0 =	simm.s32 @p0 $0x1  }
0x13: {  	[smem:$0x3FB8] =	sst s0;
	s0 =	simm.s32 @!p1 $0x0  }
0x14: {  	s2 =	sld [smem:$0x3F9C];
	s0 =	simm.s32 @p1 $0x1  }
0x15: {  	[smem:$0x3FB9] =	sst s0;
	s0 =	simm.s32 @!p2 $0x0  }
0x16: {  	s3 =	sld [smem:$0x3FDB];
	s0 =	simm.s32 @p2 $0x1  }
0x17: {  	s4 =	simm.s32 $0x1BF5;
	[smem:$0x3FBB] =	sst s0  }
0x18: {  	s0 =	sld [smem:$0x3F9E];
	_ =	swait.ge [sflag:s4], $0x0  }
0x19: {  	s7 =	sld [smem:$0x3F9F]  }
0x1a: {  	s8 =	sadd.s32 $0xFFFFE003, lr  }
0x1b: {  	s9 =	sadd.s32 $0xFFFFFEF7, lr;
	s5 =	simm.s32 $0xFFFFFFFF;
	p2 =	slt.u32 s8, $0xFFFFF086  }
0x1c: {  	p1 =	slt.u32 s9, $0xF7A;
	s5 =	simm.s32 @!p2 $0x0  }
0x1d: {  	s5 =	simm.s32 @p1 $0x1;
	p0 =	seq.s32 s7, s2  }
0x1e: {  	s7 =	smul.u32 @!p0 $0xF7A, s2;
	p2 =	seq.s32 @!p0 s5, $0x0  }
0x1f: {  	s9 =	smul.u32 $0xF7A, s1;
	s8 =	simm.s32 @!p0 $0x1BF5;
	p2 =	por !p2, p0  }
0x20: {  	[sflag:s8] =	ssyncset.s32 @!p0 $0xFFFFF086;
	s6 =	sadd.s32 @!p0 s3, s7;
	s7 =	simm.s32 @!p0 $0x108  }
0x21: {  	s3 =	sadd.s32 s3, s9;
	s6 =	sadd.s32 @!p0 $0x88, s6;
	s7 =	simm.s32 @p2 $0x1082  }
0x22: {  	[simem:s7], [sflag:s8] =	dma.local @!p0 [hbm:s6], $0xF7A  }
0x23: {  	s9 =	sor.u32 $0xD0000000, s2;
	s6 =	simm.s32 $0x108;
	_ =	swait.ge @!p0 [sflag:s8], $0x0  }
0x24: {  	s3 =	sadd.s32 $0x88, s3;
	s6 =	simm.s32 @!p1 $0x1082;
	[sflag:s4] =	ssyncset.s32 $0xFFFFF086  }
0x25: {  	[simem:s6], [sflag:s4] =	dma.local [hbm:s3], $0xF7A  }
0x26: {  	[smem:$0x3F9F] =	sst s1;
	(tag) =	ssettag s2;
	_ =	strace s9  }
0x27: {  	s1 =	sld [smem:$0x3FAF]  }
0x28: {  	s2 =	sld [smem:$0x3FB0]  }
0x29: {  	s4 =	sld [smem:$0x3FB2]  }
0x2a: {  	p0 =	seq.s32 s5, $0x0;
	s5 =	sld [smem:$0x3FB3]  }
0x2b: {  	s6 =	sld [smem:$0x3FB4]  }
0x2c: {  	s7 =	sld [smem:$0x3FB5]  }
0x2d: {  	s3 =	simm.s32 $0x108;
	s8 =	sld [smem:$0x3FB6]  }
0x2e: {  	s3 =	simm.s32 @!p0 $0x1082;
	s9 =	sld [smem:$0x3FB7]  }
0x2f: {  	lr =	sadd.s32 s0, s3;
	s0 =	sld [smem:$0x3FAE]  }
0x30: {  	s3 =	sld [smem:$0x3FB1]  }
0x31: {  	[smem:$0x3FBA] =	sst s10  }
0x32: {  	s10 =	sld [smem:$0x3FB8];
	_ =	sdelay $0x3  }
0x33: {  	p0 =	seq.s32 s10, $0x1;
	s10 =	sld [smem:$0x3FBA];
	_ =	sdelay $0x3  }
0x34: {  	[smem:$0x3FBA] =	sst s10  }
0x35: {  	s10 =	sld [smem:$0x3FB9];
	_ =	sdelay $0x3  }
0x36: {  	p1 =	seq.s32 s10, $0x1;
	s10 =	sld [smem:$0x3FBA];
	_ =	sdelay $0x3  }
0x37: {  	[smem:$0x3FBA] =	sst s10  }
0x38: {  	s10 =	sld [smem:$0x3FBB]  }
0x39: {  	_ = 	snop;
	(pc) =	sbr.ind lr, $3  }
0x3a: {  	_ = 	snop  }
0x3b: {  	_ = 	snop  }
0x3c: {  	p2 =	seq.s32 s10, $0x1;
	s10 =	sld [smem:$0x3FBA]  }
0x3d: {  	_ =	shalt  }
0x3e: {  	_ =	shalt  }
0x3f: {  	_ =	shalt  }
0x40: {  	_ =	shalt  }
0x41: {  	_ =	shalt  }
0x42: {  	_ =	shalt  }
0x43: {  	_ =	shalt  }
0x44: {  	_ =	shalt  }
0x45: {  	_ =	shalt  }
0x46: {  	_ =	shalt  }
0x47: {  	_ =	shalt  }
0x48: {  	_ =	shalt  }
0x49: {  	_ =	shalt  }
0x4a: {  	_ =	shalt  }
0x4b: {  	_ =	shalt  }
0x4c: {  	_ =	shalt  }
0x4d: {  	_ =	shalt  }
0x4e: {  	_ =	shalt  }
0x4f: {  	_ =	shalt  }
0x50: {  	_ =	shalt  }
0x51: {  	_ =	shalt  }
0x52: {  	_ =	shalt  }
0x53: {  	_ =	shalt  }
0x54: {  	_ =	shalt  }
0x55: {  	_ =	shalt  }
0x56: {  	_ =	shalt  }
0x57: {  	_ =	shalt  }
0x58: {  	_ =	shalt  }
0x59: {  	_ =	shalt  }
0x5a: {  	_ =	shalt  }
0x5b: {  	_ =	shalt  }
0x5c: {  	_ =	shalt  }
0x5d: {  	_ =	shalt  }
0x5e: {  	_ =	shalt  }
0x5f: {  	_ =	shalt  }
0x60: {  	_ =	shalt  }
0x61: {  	_ =	shalt  }
0x62: {  	_ =	shalt  }
0x63: {  	_ =	shalt  }
0x64: {  	_ =	shalt  }
0x65: {  	_ =	shalt  }
0x66: {  	_ =	shalt  }
0x67: {  	_ =	shalt  }
0x68: {  	_ =	shalt  }
0x69: {  	_ =	shalt  }
0x6a: {  	_ =	shalt  }
0x6b: {  	_ =	shalt  }
0x6c: {  	_ =	shalt  }
0x6d: {  	_ =	shalt  }
0x6e: {  	_ =	shalt  }
0x6f: {  	_ =	shalt  }
0x70: {  	_ =	shalt  }
0x71: {  	_ =	shalt  }
0x72: {  	_ =	shalt  }
0x73: {  	_ =	shalt  }
0x74: {  	_ =	shalt  }
0x75: {  	_ =	shalt  }
0x76: {  	_ =	shalt  }
0x77: {  	_ =	shalt  }
0x78: {  	_ =	shalt  }
0x79: {  	_ =	shalt  }
0x7a: {  	_ =	shalt  }
0x7b: {  	_ =	shalt  }
0x7c: {  	_ =	shalt  }
0x7d: {  	_ =	shalt  }
0x7e: {  	_ =	shalt  }
0x7f: {  	_ =	shalt  }
0x80: {  	_ =	shalt  }
0x81: {  	_ =	shalt  }
0x82: {  	_ =	shalt  }
0x83: {  	_ =	shalt  }
0x84: {  	_ =	shalt  }
0x85: {  	_ =	shalt  }
0x86: {  	_ =	shalt  }
0x87: {  	_ =	shalt  }
.Lfunc_end0:
.L_simem_size_0:
called_computation_lowered:
.L_overlay_start_0:
0x88: {  	s2 =	sld [smem:$0x3FD9]  }
0x89: {  	s3 =	sld [smem:$0x3FFE];
	_ =	sdelay $0x1  }
0x8a: {  	s1 =	srdreg.scid  }
0x8b: {  	s0 =	sand.u32 $0x1, s1  }
0x8c: {  	s18 =	sshll.u32 s0, $0xA;
	s2 =	sadd.s32 s3, s2  }
0x8d: {  	s2 =	sadd.s32 s2, s18  }
0x8e: {  	[smem:$0x3FC6] =	sst s2  }
0x8f: {  	_ = 	snop  }
0x90: {  	s2 =	sld [smem:$0x3FC9]  }
0x91: {  	s19 =	sld [smem:$0x3FC8]  }
0x92: {  	s4 =	sld [smem:$0x3FD0];
	(tm) =	ssettm $0x1  }
0x93: {  	s5 =	sld [smem:$0x3FFB];
	_ =	sdelay $0x3  }
0x94: {  	_ =	strace s5  }
0x95: {  	s5 =	sld [smem:$0x3FFC];
	_ =	sdelay $0x3  }
0x96: {  	_ =	strace s5  }
0x97: {  	s5 =	sld [smem:$0x3FFD];
	_ =	sdelay $0x3  }
0x98: {  	_ =	strace s5  }
0x99: {  	_ =	strace $0x8FFFFFFF  }
0x9a: {  	s20 =	sld [smem:$0x3FDB];
	_ =	sdelay $0x1  }
0x9b: {  	s6 =	simm.s32 $_scs_section_size  }
0x9c: {  	s7 =	simm.s32 $_size__tile_overlayer_lowered;
	s8 =	simm.s32 $_tile_overlayer_lowered  }
0x9d: {  	s23 =	simm.s32 $0x1BFF;
	s22 =	sshll.u32 s8, $0x1;
	s5 =	sadd.s32 s6, s20  }
0x9e: {  	s9 =	simm.s32 $0x0;
	s21 =	sshll.u32 s7, $0x1;
	s7 =	sadd.s32 s22, s5  }
0x9f: {  	[timem:s9], [sflag:s23] =	dma.local [hbm:s7], s21  }
0xa0: {  	_ =	swait.ge [sflag:s23], s21  }
0xa1: {  	s6 =	ssub.s32 $0x0, s21;
	[sflag:s23] =	ssyncset.done $0x0  }
0xa2: {  	[sflag:s23] =	ssyncadd.s32 s6;
	_ =	sdelay $0x1  }
0xa3: {  	s24 =	simm.s32 $0x1B8B  }
0xa4: {  	_ =	swait.ge [sflag:s24], $0x1  }
0xa5: {  	[sflag:s24] =	ssyncset.done $0x0  }
0xa6: {  	s25 =	simm.s32 $0x1B8E;
	[sflag:s24] =	ssyncadd.s32 $0xFFFFFFFF  }
0xa7: {  	s26 =	simm.s32 $execute0_lowered;
	[smem:$0x3FD2] =	sst s25  }
0xa8: {  	s6 =	sshll.u32 s26, $0x1;
	_ =	strace $0x80000046;
	[dreg:$0x1] =	wrdreg $0xFFFFFFFF  }
0xa9: {  	s28 =	simm.s32 $_size_execute0_lowered;
	s5 =	sadd.s32 s5, s6;
	[dreg:$0x0] =	wrdreg $0x0  }
0xaa: {  	s6 =	sshll.u32 s28, $0x1;
	[dreg:$0x2] =	wrdreg s5  }
0xab: {  	[dreg:$0x3] =	wrdreg s6  }
0xac: {  	[dreg:$0x4] =	wrdreg $0xC0  }
0xad: {  	_ =	task [dreg:s9], $0x5FFFF  }
0xae: {  	[dreg:$0x1] =	wrdreg $0xFFFFFFFF  }
0xaf: {  	[dreg:$0x0] =	wrdreg $0x60  }
0xb0: {  	[dreg:$0x2] =	wrdreg s2  }
0xb1: {  	[dreg:$0x3] =	wrdreg s19  }
0xb2: {  	[dreg:$0x4] =	wrdreg s4  }
0xb3: {  	[dreg:$0x5] =	wrdreg $0x188000  }
0xb4: {  	[dreg:$0x6] =	wrdreg $0x9  }
0xb5: {  	_ =	task.clear_ibuf [dreg:s9], $0x7FFFF;
	_ =	strace $0x90000046  }
0xb6: {  	s29 =	simm.s32 $0x9;
	_ =	strace $0x80000048  }
0xb7: {  	_ =	swait.ge [sflag:s29], $0x1  }
0xb8: {  	[sflag:s29] =	ssyncadd.s32 $0xFFFFFFFF  }
0xb9: {  	_ =	strace $0x90000048  }
0xba: {  	_ =	sfence  }
0xbb: {  	s30 =	sld [smem:$0x0];
	_ =	sdelay $0x2  }
0xbc: {  	s31 =	sshll.u32 s1, $0xD;
	s1 =	sshrl.u32 s1, $0x2  }
0xbd: {  	s3 =	sand.u32 $0x4000, s31;
	s1 =	sadd.s32 s1, s30  }
0xbe: {  	s0 =	sor.u32 s3, s0;
	s1 =	sshll.u32 s1, $0x11  }
0xbf: {  	s0 =	sor.u32 s1, s0  }
0xc0: {  	s0 =	sadd.s32 $0x8F2B, s0  }
0xc1: {  	[sflag:s0] =	ssyncadd.remote.s32 $0x1  }
0xc2: {  	_ =	sfence.sel $0xFFFF  }
0xc3: {  	[dreg:$0x0] =	wrdreg $0xFFFFFFFF;
	(pc) =	sbr.abs _section_cstart, $3  }
0xc4: {  	[dreg:$0x1] =	wrdreg $0xFFFFFFFF  }
0xc5: {  	_ =	task.clear_ibuf [dreg:s9], $0x2FFFF;
	_ =	strace $0x9FFFFFFF  }
0xc6: {  	(tm) =	ssettm $0x7FFFFFFF  }
0xc7: {  	_ =	shalt  }
tec
execute0_lowered:
.L_overlay_start_1:
0x0: {  	(tag) =	ssettag $0x1  }
0x1: {  	s0 =	rddreg [dreg:$0x0]  }
0x2: {  	s1 =	rddreg [dreg:$0x2]  }
0x3: {  	s10 =	rddreg [dreg:$0x3];
	s2 =	srdreg.scid  }
0x4: {  	s11 =	stileid.u32;
	s4 =	simm.s32 $0x0;
	s2 =	sand.u32 $0x1, s2  }
0x5: {  	s3 =	sshll.u32 s11, $0x1;
	[smem:$0x7FF] =	sst s4;
	s5 =	sshll.u32 s11, $0xC  }
0x6: {  	s14 =	sadd.s32 $0x2000, s1;
	s15 =	sadd.s32 $0x400, s1;
	s17 =	sadd.s32 $0x2400, s1  }
0x7: {  	s10 =	sadd.s32 $0x8000, s10;
	p0 =	sne.s32 s11, $0x0;
	s11 =	simm.s32 $0x3  }
0x8: {  	s3 =	sor.u32 s2, s3;
	_ =	strace $0x80000047;
	s2 =	ssub.s32 $0x2, s2  }
0x9: {  	s7 =	sshllo.u32 s3, $0x1;
	s6 =	sshll.u32 s3, $0x8;
	s9 =	sshrl.u32 s2, $0x1  }
0xa: {  	s13 =	sshll.u32 s3, $0xF;
	s8 =	sshll.u32 s7, $0x7;
	s6 =	sor.u32 s5, s6  }
0xb: {  	s2 =	ssub.s32 s2, s9;
	s3 =	sadd.s32 s1, s13;
	s9 =	sadd.s32 s13, s14  }
0xc: {  	s16 =	sadd.s32 s13, s15;
	s18 =	sshll.u32 s7, $0xE;
	[dreg:$0x5] =	wrdreg s3  }
0xd: {  	s5 =	sor.u32 s5, s8;
	s6 =	sand.u32 $0xE300, s6;
	[dreg:$0x6] =	wrdreg s9  }
0xe: {  	[dreg:$0x7] =	wrdreg s16;
	s7 =	sadd.s32 s18, s15;
	s19 =	sadd.s32 s18, s17  }
0xf: {  	s1 =	sadd.s32 s1, s18;
	s20 =	smax.u32 s2, $0x1;
	[dreg:$0x9] =	wrdreg s7  }
0x10: {  	s3 =	simm.s32 $0x2;
	s2 =	simm.s32 $0x4000;
	[dreg:$0xa] =	wrdreg s19  }
0x11: {  	s8 =	simm.s32 $0x10800;
	s5 =	sand.u32 $0xE380, s5;
	[dreg:$0xb] =	wrdreg s1  }
0x12: {  	s6 =	sshrl.u32 s6, $0x3;
	[dreg:$0xd] =	wrdreg s20;
	s12 =	sshrl.u32 s5, $0x3  }
0x13: {  	s5 =	sadd.s32 s0, s6;
	s6 =	sadd.s32 s0, s12;
	s0 =	sadd.s32 s13, s17  }
0x14: {  	s9 =	simm.s32 $0x1;
	s21 =	sadd.s32 $0x80, s5;
	[dreg:$0x8] =	wrdreg s0  }
0x15: {  	s15 =	simm.s32 $0x0;
	s22 =	sadd.s32 $0x100, s5;
	[dreg:$0xe] =	wrdreg s21  }
0x16: {  	s1 =	simm.s32 $0x2000;
	s23 =	sadd.s32 $0x180, s5;
	[dreg:$0xf] =	wrdreg s22  }
0x17: {  	s7 =	simm.s32 $0x800;
	s24 =	sadd.s32 $0x200, s5;
	[dreg:$0x10] =	wrdreg s23  }
0x18: {  	s25 =	sadd.s32 $0x280, s5;
	s26 =	sadd.s32 $0x300, s5;
	[dreg:$0x11] =	wrdreg s24  }
0x19: {  	s12 =	simm.s32 $0x8800;
	s13 =	simm.s32 $0x4;
	[dreg:$0x12] =	wrdreg s25  }
0x1a: {  	s0 =	sadd.s32 s18, s14;
	[dreg:$0x13] =	wrdreg s26;
	s22 =	sadd.s32 $0x380, s5  }
0x1b: {  	s23 =	sadd.s32 $0x80, s6;
	s24 =	sadd.s32 $0x100, s6;
	s25 =	sshrl.u32 s10, $0x3  }
0x1c: {  	s26 =	sadd.s32 $0x180, s6;
	s28 =	sadd.s32 $0x200, s6;
	s29 =	sadd.s32 $0x280, s6  }
0x1d: {  	s30 =	sadd.s32 $0x300, s6;
	s31 =	sadd.s32 $0x380, s6;
	s10 =	simm.s32 $0x40  }
0x1e: {  	s14 =	simm.s32 $0x5;
	[dreg:$0xc] =	wrdreg s0;
	s0 =	simm.s32 $0x400  }
.LBB2_1:
0x1f: {  	[tilespmem:s4], [sflag:$0x2] =	stream.linear.gather [hbm4b:s5+s4], $0x80, $0x38;
	[tilespmem:$0x19800] =	vst v63  }
0x20: {  	s16 =	rddreg [dreg:$0xe];
	s17 =	simm.s32 $0x100  }
0x21: {  	[tilespmem:s17], [sflag:$0x2] =	stream.linear.gather [hbm4b:s16+s4], $0x80, $0x38;
	[tilespmem:$0x19800] =	vst v63  }
0x22: {  	s18 =	rddreg [dreg:$0xf];
	s19 =	simm.s32 $0x200  }
0x23: {  	[tilespmem:s19], [sflag:$0x2] =	stream.linear.gather [hbm4b:s18+s4], $0x80, $0x38;
	[tilespmem:$0x19800] =	vst v63  }
0x24: {  	s20 =	rddreg [dreg:$0x10];
	s21 =	simm.s32 $0x300  }
0x25: {  	[tilespmem:s21], [sflag:$0x2] =	stream.linear.gather [hbm4b:s20+s4], $0x80, $0x38;
	[tilespmem:$0x19800] =	vst v63  }
0x26: {  	s17 =	rddreg [dreg:$0x11]  }
0x27: {  	[tilespmem:s0], [sflag:$0x2] =	stream.linear.gather [hbm4b:s17+s4], $0x80, $0x38;
	[tilespmem:$0x19800] =	vst v63  }
0x28: {  	s18 =	rddreg [dreg:$0x12];
	s19 =	simm.s32 $0x500  }
0x29: {  	[tilespmem:s19], [sflag:$0x2] =	stream.linear.gather [hbm4b:s18+s4], $0x80, $0x38;
	[tilespmem:$0x19800] =	vst v63  }
0x2a: {  	s20 =	rddreg [dreg:$0x13];
	s21 =	simm.s32 $0x600  }
0x2b: {  	[tilespmem:s21], [sflag:$0x2] =	stream.linear.gather [hbm4b:s20+s4], $0x80, $0x38;
	[tilespmem:$0x19800] =	vst v63  }
0x2c: {  	s18 =	simm.s32 $0x700  }
0x2d: {  	[tilespmem:s18], [sflag:$0x2] =	stream.linear.gather [hbm4b:s22+s4], $0x80, $0x38;
	[tilespmem:$0x19800] =	vst v63  }
0x2e: {  	s19 =	simm.s32 $0x80  }
0x2f: {  	[tilespmem:s19], [sflag:$0x3] =	stream.linear.gather [hbm4b:s6+s4], $0x80, $0x38;
	[tilespmem:$0x19800] =	vst v63  }
0x30: {  	s20 =	simm.s32 $0x180  }
0x31: {  	[tilespmem:s20], [sflag:$0x3] =	stream.linear.gather [hbm4b:s23+s4], $0x80, $0x38;
	[tilespmem:$0x19800] =	vst v63  }
0x32: {  	s21 =	simm.s32 $0x280  }
0x33: {  	[tilespmem:s21], [sflag:$0x3] =	stream.linear.gather [hbm4b:s24+s4], $0x80, $0x38;
	[tilespmem:$0x19800] =	vst v63  }
0x34: {  	s17 =	simm.s32 $0x380  }
0x35: {  	[tilespmem:s17], [sflag:$0x3] =	stream.linear.gather [hbm4b:s26+s4], $0x80, $0x38;
	[tilespmem:$0x19800] =	vst v63  }
0x36: {  	s18 =	simm.s32 $0x480  }
0x37: {  	[tilespmem:s18], [sflag:$0x3] =	stream.linear.gather [hbm4b:s28+s4], $0x80, $0x38;
	[tilespmem:$0x19800] =	vst v63  }
0x38: {  	s16 =	rddreg [dreg:$0x3];
	s19 =	simm.s32 $0x580  }
0x39: {  	[tilespmem:s19], [sflag:$0x3] =	stream.linear.gather [hbm4b:s29+s4], $0x80, $0x38;
	[tilespmem:$0x19800] =	vst v63  }
0x3a: {  	s16 =	sshrl.u32 @!p0 s16, $0x3;
	s20 =	simm.s32 $0x680  }
0x3b: {  	[tilespmem:s20], [sflag:$0x3] =	stream.linear.gather [hbm4b:s30+s4], $0x80, $0x38;
	[tilespmem:$0x19800] =	vst v63  }
0x3c: {  	s21 =	simm.s32 $0x780;
	s17 =	simm.s32 @!p0 $0x1C06;
	s18 =	rddreg [dreg:$0x1]  }
0x3d: {  	[tilespmem:s21], [sflag:$0x3] =	stream.linear.gather [hbm4b:s31+s4], $0x80, $0x38;
	[tilespmem:$0x19800] =	vst v63  }
0x3e: {  	[spmem:s16], [sflag:s17] =	dma.local @!p0 [hbm:s18], $0x2000  }
0x3f: {  	s16 =	simm.s32 @!p0 $0x6  }
0x40: {  	_ =	swait.ge @!p0 [sflag:s16], $0x2000  }
0x41: {  	[sflag:s16] =	ssyncset.done @!p0 $0x0  }
0x42: {  	[sflag:s16] =	ssyncadd.s32 @!p0 $0xFFFFE000  }
0x43: {  	s17 =	sand.u32 $0x1C00, s4;
	_ =	swait.ge [sflag:s3], $0x400  }
0x44: {  	s19 =	sand.u32 $0x70, s4;
	s20 =	sshrl.u32 s17, $0x2;
	[sflag:s3] =	ssyncset.done $0x0  }
0x45: {  	s18 =	sor.u32 s19, s20;
	[sflag:s3] =	ssyncadd.s32 $0xFFFFFC00  }
0x46: {  	v0 =	vld [tilespmem:s18+$0x0];
	_ =	sdelay $0x3  }
0x47: {  	s16 =	sor.u32 s19, s17  }
0x48: {  	[tilespmem:s16+$0x800] =	vst v0  }
0x49: {  	[tilespmem:s16+$0x880] =	vst v0  }
0x4a: {  	[tilespmem:s16+$0x900] =	vst v0  }
0x4b: {  	[tilespmem:s16+$0x980] =	vst v0  }
0x4c: {  	[tilespmem:s16+$0xA00] =	vst v0  }
0x4d: {  	[tilespmem:s16+$0xA80] =	vst v0  }
0x4e: {  	[tilespmem:s16+$0xB00] =	vst v0  }
0x4f: {  	[tilespmem:s16+$0xB80] =	vst v0  }
0x50: {  	[tilespmem:s16+$0x2800] =	vst v0  }
0x51: {  	[tilespmem:s16+$0x2880] =	vst v0  }
0x52: {  	[tilespmem:s16+$0x2900] =	vst v0  }
0x53: {  	[tilespmem:s16+$0x2980] =	vst v0  }
0x54: {  	[tilespmem:s16+$0x2A00] =	vst v0  }
0x55: {  	[tilespmem:s16+$0x2A80] =	vst v0  }
0x56: {  	[tilespmem:s16+$0x2B00] =	vst v0  }
0x57: {  	[tilespmem:s16+$0x2B80] =	vst v0  }
0x58: {  	[tilespmem:s16+$0x4800] =	vst v0  }
0x59: {  	[tilespmem:s16+$0x4880] =	vst v0  }
0x5a: {  	[tilespmem:s16+$0x4900] =	vst v0  }
0x5b: {  	[tilespmem:s16+$0x4980] =	vst v0  }
0x5c: {  	[tilespmem:s16+$0x4A00] =	vst v0  }
0x5d: {  	[tilespmem:s16+$0x4A80] =	vst v0  }
0x5e: {  	[tilespmem:s16+$0x4B00] =	vst v0  }
0x5f: {  	[tilespmem:s16+$0x4B80] =	vst v0  }
0x60: {  	[tilespmem:s16+$0x6800] =	vst v0  }
0x61: {  	[tilespmem:s16+$0x6880] =	vst v0  }
0x62: {  	[tilespmem:s16+$0x6900] =	vst v0  }
0x63: {  	[tilespmem:s16+$0x6980] =	vst v0  }
0x64: {  	s21 =	simm.s32 $0x80;
	[tilespmem:s16+$0x6A00] =	vst v0  }
0x65: {  	s19 =	sand.u32 $0x1C00, s21;
	s17 =	simm.s32 $0x100;
	s18 =	simm.s32 $0x10;
	[tilespmem:s16+$0x6A80] =	vst v0  }
.LBB2_2:
0x66: {  	p1 =	sne.s32 s17, $0x1F80;
	s20 =	sand.u32 $0x70, s18;
	s21 =	sshrl.u32 s19, $0x2;
	[tilespmem:s16+$0x6B00] =	vst v0  }
0x67: {  	s21 =	sor.u32 s20, s21;
	[tilespmem:s16+$0x6B80] =	vst v0  }
0x68: {  	v0 =	vld [tilespmem:s21+$0x0];
	_ =	sdelay $0x3  }
0x69: {  	s16 =	sor.u32 s20, s19  }
0x6a: {  	[tilespmem:s16+$0x800] =	vst v0  }
0x6b: {  	[tilespmem:s16+$0x880] =	vst v0  }
0x6c: {  	[tilespmem:s16+$0x900] =	vst v0  }
0x6d: {  	[tilespmem:s16+$0x980] =	vst v0  }
0x6e: {  	[tilespmem:s16+$0xA00] =	vst v0  }
0x6f: {  	[tilespmem:s16+$0xA80] =	vst v0  }
0x70: {  	[tilespmem:s16+$0xB00] =	vst v0  }
0x71: {  	[tilespmem:s16+$0xB80] =	vst v0  }
0x72: {  	[tilespmem:s16+$0x2800] =	vst v0  }
0x73: {  	[tilespmem:s16+$0x2880] =	vst v0  }
0x74: {  	[tilespmem:s16+$0x2900] =	vst v0  }
0x75: {  	[tilespmem:s16+$0x2980] =	vst v0  }
0x76: {  	[tilespmem:s16+$0x2A00] =	vst v0  }
0x77: {  	[tilespmem:s16+$0x2A80] =	vst v0  }
0x78: {  	[tilespmem:s16+$0x2B00] =	vst v0  }
0x79: {  	[tilespmem:s16+$0x2B80] =	vst v0  }
0x7a: {  	[tilespmem:s16+$0x4800] =	vst v0  }
0x7b: {  	[tilespmem:s16+$0x4880] =	vst v0  }
0x7c: {  	[tilespmem:s16+$0x4900] =	vst v0  }
0x7d: {  	[tilespmem:s16+$0x4980] =	vst v0  }
0x7e: {  	[tilespmem:s16+$0x4A00] =	vst v0  }
0x7f: {  	[tilespmem:s16+$0x4A80] =	vst v0  }
0x80: {  	[tilespmem:s16+$0x4B00] =	vst v0  }
0x81: {  	[tilespmem:s16+$0x4B80] =	vst v0  }
0x82: {  	[tilespmem:s16+$0x6800] =	vst v0  }
.Ltmp0:
0x83: {  	[tilespmem:s16+$0x6880] =	vst v0;
	(pc) =	sbr.rel @p1 .LBB2_2-.Ltmp0, $4  }
0x84: {  	[tilespmem:s16+$0x6900] =	vst v0  }
0x85: {  	[tilespmem:s16+$0x6980] =	vst v0  }
0x86: {  	[tilespmem:s16+$0x6A00] =	vst v0  }
0x87: {  	s18 =	sadd.s32 $0x10, s18;
	s19 =	sand.u32 $0x1C00, s17;
	s17 =	sadd.s32 $0x80, s17;
	[tilespmem:s16+$0x6A80] =	vst v0  }
0x88: {  	s17 =	sand.u32 $0x70, s18;
	s21 =	sshrl.u32 s19, $0x2;
	[tilespmem:s16+$0x6B00] =	vst v0  }
0x89: {  	[tilespmem:s16+$0x6B80] =	vst v0;
	s18 =	sor.u32 s17, s21  }
0x8a: {  	v0 =	vld [tilespmem:s18+$0x0];
	_ =	sdelay $0x3  }
0x8b: {  	s19 =	sor.u32 s17, s19  }
0x8c: {  	[tilespmem:s19+$0x800] =	vst v0  }
0x8d: {  	[tilespmem:s19+$0x880] =	vst v0  }
0x8e: {  	[tilespmem:s19+$0x900] =	vst v0  }
0x8f: {  	[tilespmem:s19+$0x980] =	vst v0  }
0x90: {  	[tilespmem:s19+$0xA00] =	vst v0  }
0x91: {  	[tilespmem:s19+$0xA80] =	vst v0  }
0x92: {  	[tilespmem:s19+$0xB00] =	vst v0  }
0x93: {  	[tilespmem:s19+$0xB80] =	vst v0  }
0x94: {  	[tilespmem:s19+$0x2800] =	vst v0  }
0x95: {  	[tilespmem:s19+$0x2880] =	vst v0  }
0x96: {  	[tilespmem:s19+$0x2900] =	vst v0  }
0x97: {  	[tilespmem:s19+$0x2980] =	vst v0  }
0x98: {  	[tilespmem:s19+$0x2A00] =	vst v0  }
0x99: {  	[tilespmem:s19+$0x2A80] =	vst v0  }
0x9a: {  	[tilespmem:s19+$0x2B00] =	vst v0  }
0x9b: {  	[tilespmem:s19+$0x2B80] =	vst v0  }
0x9c: {  	[tilespmem:s19+$0x4800] =	vst v0  }
0x9d: {  	[tilespmem:s19+$0x4880] =	vst v0  }
0x9e: {  	[tilespmem:s19+$0x4900] =	vst v0  }
0x9f: {  	[tilespmem:s19+$0x4980] =	vst v0  }
0xa0: {  	[tilespmem:s19+$0x4A00] =	vst v0  }
0xa1: {  	[tilespmem:s19+$0x4A80] =	vst v0  }
0xa2: {  	[tilespmem:s19+$0x4B00] =	vst v0  }
0xa3: {  	[tilespmem:s19+$0x4B80] =	vst v0  }
0xa4: {  	[tilespmem:s19+$0x6800] =	vst v0  }
0xa5: {  	[tilespmem:s19+$0x6880] =	vst v0  }
0xa6: {  	[tilespmem:s19+$0x6900] =	vst v0  }
0xa7: {  	[tilespmem:s19+$0x6980] =	vst v0  }
0xa8: {  	[tilespmem:s19+$0x6A00] =	vst v0  }
0xa9: {  	[tilespmem:s19+$0x6A80] =	vst v0  }
0xaa: {  	[tilespmem:s19+$0x6B00] =	vst v0  }
0xab: {  	s20 =	rddreg [dreg:$0x5];
	[tilespmem:s19+$0x6B80] =	vst v0  }
0xac: {  	[hbm4b:s20+s1] =	stream.strided.scatter [tilespmem:s7], [sflag:$0x4], $0x8000, s2, s1, $0x38;
	[tilespmem:$0x19800] =	vst v63  }
0xad: {  	s21 =	rddreg [dreg:$0x6]  }
0xae: {  	[hbm4b:s21+s1] =	stream.strided.scatter [tilespmem:s7], [sflag:$0x4], $0x8000, s2, s1, $0x38;
	[tilespmem:$0x19800] =	vst v63  }
0xaf: {  	[bflag:$0x0] =	sbarrier.arrive $0xFFFF  }
0xb0: {  	s17 =	rddreg [dreg:$0x3]  }
0xb1: {  	[tilespmem:s8], [sflag:$0x1] =	stream.linear.gather [spmem:s17], $0x8000, $0x38;
	[tilespmem:$0x19800] =	vst v63  }
0xb2: {  	s19 =	stileid.u32;
	_ =	swait.ge [sflag:s9], $0x8000  }
0xb3: {  	s16 =	sshll.u32 s19, $0x6;
	[sflag:s9] =	ssyncset.done $0x0;
	s18 =	rddreg [dreg:$0x7]  }
0xb4: {  	s16 =	sor.u32 $0x1C05, s16;
	s20 =	rddreg [dreg:$0x8];
	[sflag:s9] =	ssyncadd.s32 $0xFFFF8000  }
0xb5: {  	[hbm4b:s18+s1] =	stream.strided.scatter [tilespmem:s8], [sflag:$0x5], $0x8000, s2, s1, $0x38;
	[tilespmem:$0x19800] =	vst v63  }
0xb6: {  	[hbm:s20@s7], [sflag:s16] =	dma.strided [spmem:s25@s0], $0x1000, s10, $0x10   }
0xb7: {  	s17 =	rddreg [dreg:$0x9]  }
0xb8: {  	s18 =	simm.s32 $0x0;
	s21 =	rddreg [dreg:$0xa]  }
0xb9: {  	[hbm4b:s17+s1] =	stream.strided.scatter [tilespmem:s8], [sflag:$0x5], $0x8000, s2, s1, $0x38;
	[tilespmem:$0x19800] =	vst v63  }
0xba: {  	[hbm:s21@s7], [sflag:s16] =	dma.strided [spmem:s25@s0], $0x1000, s10, $0x10   }
0xbb: {  	s19 =	sand.u32 $0x1C00, s18;
	_ =	swait.ge [sflag:s11], $0x400  }
0xbc: {  	s20 =	sshrl.u32 s19, $0x2;
	s16 =	sand.u32 $0x70, s18;
	[sflag:s11] =	ssyncset.done $0x0  }
0xbd: {  	s18 =	sor.u32 s16, s20;
	[sflag:s11] =	ssyncadd.s32 $0xFFFFFC00  }
0xbe: {  	v0 =	vld [tilespmem:s18+$0x80];
	_ =	sdelay $0x3  }
0xbf: {  	s16 =	sor.u32 s16, s19  }
0xc0: {  	[tilespmem:s16+$0x8800] =	vst v0  }
0xc1: {  	[tilespmem:s16+$0x8880] =	vst v0  }
0xc2: {  	[tilespmem:s16+$0x8900] =	vst v0  }
0xc3: {  	[tilespmem:s16+$0x8980] =	vst v0  }
0xc4: {  	[tilespmem:s16+$0x8A00] =	vst v0  }
0xc5: {  	[tilespmem:s16+$0x8A80] =	vst v0  }
0xc6: {  	[tilespmem:s16+$0x8B00] =	vst v0  }
0xc7: {  	[tilespmem:s16+$0x8B80] =	vst v0  }
0xc8: {  	[tilespmem:s16+$0xA800] =	vst v0  }
0xc9: {  	[tilespmem:s16+$0xA880] =	vst v0  }
0xca: {  	[tilespmem:s16+$0xA900] =	vst v0  }
0xcb: {  	[tilespmem:s16+$0xA980] =	vst v0  }
0xcc: {  	[tilespmem:s16+$0xAA00] =	vst v0  }
0xcd: {  	[tilespmem:s16+$0xAA80] =	vst v0  }
0xce: {  	[tilespmem:s16+$0xAB00] =	vst v0  }
0xcf: {  	[tilespmem:s16+$0xAB80] =	vst v0  }
0xd0: {  	[tilespmem:s16+$0xC800] =	vst v0  }
0xd1: {  	[tilespmem:s16+$0xC880] =	vst v0  }
0xd2: {  	[tilespmem:s16+$0xC900] =	vst v0  }
0xd3: {  	[tilespmem:s16+$0xC980] =	vst v0  }
0xd4: {  	[tilespmem:s16+$0xCA00] =	vst v0  }
0xd5: {  	[tilespmem:s16+$0xCA80] =	vst v0  }
0xd6: {  	[tilespmem:s16+$0xCB00] =	vst v0  }
0xd7: {  	[tilespmem:s16+$0xCB80] =	vst v0  }
0xd8: {  	[tilespmem:s16+$0xE800] =	vst v0  }
0xd9: {  	[tilespmem:s16+$0xE880] =	vst v0  }
0xda: {  	[tilespmem:s16+$0xE900] =	vst v0  }
0xdb: {  	[tilespmem:s16+$0xE980] =	vst v0  }
0xdc: {  	s21 =	simm.s32 $0x80;
	[tilespmem:s16+$0xEA00] =	vst v0  }
0xdd: {  	s17 =	simm.s32 $0x100;
	s19 =	sand.u32 $0x1C00, s21;
	s18 =	simm.s32 $0x10;
	[tilespmem:s16+$0xEA80] =	vst v0  }
.LBB2_4:
0xde: {  	p1 =	sne.s32 s17, $0x1F80;
	s20 =	sand.u32 $0x70, s18;
	s21 =	sshrl.u32 s19, $0x2;
	[tilespmem:s16+$0xEB00] =	vst v0  }
0xdf: {  	s21 =	sor.u32 s20, s21;
	[tilespmem:s16+$0xEB80] =	vst v0  }
0xe0: {  	v0 =	vld [tilespmem:s21+$0x80];
	_ =	sdelay $0x3  }
0xe1: {  	s16 =	sor.u32 s20, s19  }
0xe2: {  	[tilespmem:s16+$0x8800] =	vst v0  }
0xe3: {  	[tilespmem:s16+$0x8880] =	vst v0  }
0xe4: {  	[tilespmem:s16+$0x8900] =	vst v0  }
0xe5: {  	[tilespmem:s16+$0x8980] =	vst v0  }
0xe6: {  	[tilespmem:s16+$0x8A00] =	vst v0  }
0xe7: {  	[tilespmem:s16+$0x8A80] =	vst v0  }
0xe8: {  	[tilespmem:s16+$0x8B00] =	vst v0  }
0xe9: {  	[tilespmem:s16+$0x8B80] =	vst v0  }
0xea: {  	[tilespmem:s16+$0xA800] =	vst v0  }
0xeb: {  	[tilespmem:s16+$0xA880] =	vst v0  }
0xec: {  	[tilespmem:s16+$0xA900] =	vst v0  }
0xed: {  	[tilespmem:s16+$0xA980] =	vst v0  }
0xee: {  	[tilespmem:s16+$0xAA00] =	vst v0  }
0xef: {  	[tilespmem:s16+$0xAA80] =	vst v0  }
0xf0: {  	[tilespmem:s16+$0xAB00] =	vst v0  }
0xf1: {  	[tilespmem:s16+$0xAB80] =	vst v0  }
0xf2: {  	[tilespmem:s16+$0xC800] =	vst v0  }
0xf3: {  	[tilespmem:s16+$0xC880] =	vst v0  }
0xf4: {  	[tilespmem:s16+$0xC900] =	vst v0  }
0xf5: {  	[tilespmem:s16+$0xC980] =	vst v0  }
0xf6: {  	[tilespmem:s16+$0xCA00] =	vst v0  }
0xf7: {  	[tilespmem:s16+$0xCA80] =	vst v0  }
0xf8: {  	[tilespmem:s16+$0xCB00] =	vst v0  }
0xf9: {  	[tilespmem:s16+$0xCB80] =	vst v0  }
0xfa: {  	[tilespmem:s16+$0xE800] =	vst v0  }
.Ltmp1:
0xfb: {  	[tilespmem:s16+$0xE880] =	vst v0;
	(pc) =	sbr.rel @p1 .LBB2_4-.Ltmp1, $4  }
0xfc: {  	[tilespmem:s16+$0xE900] =	vst v0  }
0xfd: {  	[tilespmem:s16+$0xE980] =	vst v0  }
0xfe: {  	[tilespmem:s16+$0xEA00] =	vst v0  }
0xff: {  	s18 =	sadd.s32 $0x10, s18;
	s19 =	sand.u32 $0x1C00, s17;
	s17 =	sadd.s32 $0x80, s17;
	[tilespmem:s16+$0xEA80] =	vst v0  }
0x100: {  	s17 =	sand.u32 $0x70, s18;
	s21 =	sshrl.u32 s19, $0x2;
	[tilespmem:s16+$0xEB00] =	vst v0  }
0x101: {  	[tilespmem:s16+$0xEB80] =	vst v0;
	s18 =	sor.u32 s17, s21  }
0x102: {  	v0 =	vld [tilespmem:s18+$0x80];
	_ =	sdelay $0x3  }
0x103: {  	s18 =	sor.u32 s17, s19  }
0x104: {  	[tilespmem:s18+$0x8800] =	vst v0  }
0x105: {  	[tilespmem:s18+$0x8880] =	vst v0  }
0x106: {  	[tilespmem:s18+$0x8900] =	vst v0  }
0x107: {  	[tilespmem:s18+$0x8980] =	vst v0  }
0x108: {  	[tilespmem:s18+$0x8A00] =	vst v0  }
0x109: {  	[tilespmem:s18+$0x8A80] =	vst v0  }
0x10a: {  	[tilespmem:s18+$0x8B00] =	vst v0  }
0x10b: {  	[tilespmem:s18+$0x8B80] =	vst v0  }
0x10c: {  	[tilespmem:s18+$0xA800] =	vst v0  }
0x10d: {  	[tilespmem:s18+$0xA880] =	vst v0  }
0x10e: {  	[tilespmem:s18+$0xA900] =	vst v0  }
0x10f: {  	[tilespmem:s18+$0xA980] =	vst v0  }
0x110: {  	[tilespmem:s18+$0xAA00] =	vst v0  }
0x111: {  	[tilespmem:s18+$0xAA80] =	vst v0  }
0x112: {  	[tilespmem:s18+$0xAB00] =	vst v0  }
0x113: {  	[tilespmem:s18+$0xAB80] =	vst v0  }
0x114: {  	[tilespmem:s18+$0xC800] =	vst v0  }
0x115: {  	[tilespmem:s18+$0xC880] =	vst v0  }
0x116: {  	[tilespmem:s18+$0xC900] =	vst v0  }
0x117: {  	[tilespmem:s18+$0xC980] =	vst v0  }
0x118: {  	[tilespmem:s18+$0xCA00] =	vst v0  }
0x119: {  	[tilespmem:s18+$0xCA80] =	vst v0  }
0x11a: {  	[tilespmem:s18+$0xCB00] =	vst v0  }
0x11b: {  	[tilespmem:s18+$0xCB80] =	vst v0  }
0x11c: {  	[tilespmem:s18+$0xE800] =	vst v0  }
0x11d: {  	[tilespmem:s18+$0xE880] =	vst v0  }
0x11e: {  	[tilespmem:s18+$0xE900] =	vst v0  }
0x11f: {  	[tilespmem:s18+$0xE980] =	vst v0  }
0x120: {  	[tilespmem:s18+$0xEA00] =	vst v0  }
0x121: {  	[tilespmem:s18+$0xEA80] =	vst v0  }
0x122: {  	[tilespmem:s18+$0xEB00] =	vst v0  }
0x123: {  	s19 =	rddreg [dreg:$0xb];
	[tilespmem:s18+$0xEB80] =	vst v0  }
0x124: {  	[hbm4b:s19+s1] =	stream.strided.scatter [tilespmem:s12], [sflag:$0x4], $0x8000, s2, s1, $0x38;
	[tilespmem:$0x19800] =	vst v63  }
0x125: {  	s20 =	rddreg [dreg:$0xc]  }
0x126: {  	[hbm4b:s20+s1] =	stream.strided.scatter [tilespmem:s12], [sflag:$0x4], $0x8000, s2, s1, $0x38;
	[tilespmem:$0x19800] =	vst v63  }
0x127: {  	_ =	swait.ge [sflag:s13], $0x8000  }
0x128: {  	[sflag:s13] =	ssyncset.done $0x0  }
0x129: {  	[sflag:s13] =	ssyncadd.s32 $0xFFFF8000  }
0x12a: {  	_ =	swait.ge [sflag:s13], $0x8000  }
0x12b: {  	[sflag:s13] =	ssyncset.done $0x0  }
0x12c: {  	[sflag:s13] =	ssyncadd.s32 $0xFFFF8000  }
0x12d: {  	_ =	swait.ge [sflag:s13], $0x8000  }
0x12e: {  	[sflag:s13] =	ssyncset.done $0x0  }
0x12f: {  	[sflag:s13] =	ssyncadd.s32 $0xFFFF8000  }
0x130: {  	_ =	swait.ge [sflag:s13], $0x8000  }
0x131: {  	[sflag:s13] =	ssyncset.done $0x0  }
0x132: {  	[sflag:s13] =	ssyncadd.s32 $0xFFFF8000  }
0x133: {  	_ =	swait.ge [sflag:s14], $0x8000  }
0x134: {  	[sflag:s14] =	ssyncset.done $0x0  }
0x135: {  	[sflag:s14] =	ssyncadd.s32 $0xFFFF8000  }
0x136: {  	_ =	swait.ge [sflag:s14], $0x1000  }
0x137: {  	[sflag:s14] =	ssyncset.done $0x0  }
0x138: {  	[sflag:s14] =	ssyncadd.s32 $0xFFFFF000  }
0x139: {  	_ =	swait.ge [sflag:s14], $0x8000  }
0x13a: {  	[sflag:s14] =	ssyncset.done $0x0  }
0x13b: {  	[sflag:s14] =	ssyncadd.s32 $0xFFFF8000  }
0x13c: {  	_ =	swait.ge [sflag:s14], $0x1000  }
0x13d: {  	s15 =	sadd.s32 $0x1, s15;
	s21 =	rddreg [dreg:$0xd]  }
0x13e: {  	p1 =	sne.s32 s15, s21  }
.Ltmp2:
0x13f: {  	_ = 	snop;
	(pc) =	sbr.rel @p1 .LBB2_1-.Ltmp2, $3  }
0x140: {  	_ =	sdelay $0x1  }
0x141: {  	[sflag:s14] =	ssyncset.done $0x0  }
0x142: {  	[sflag:s14] =	ssyncadd.s32 $0xFFFFF000  }
0x143: {  	_ =	sfence.sel $0x180000  }
0x144: {  	[bflag:$0x0] =	sbarrier.arrive $0xFFFF  }
0x145: {  	_ =	strace $0x90000047  }
0x146: {  	[bflag:$0x2] =	sbarrier.arrive $0xFFFF  }
0x147: {  	s0 =	rddreg [dreg:$0x4]  }
0x148: {  	s0 =	sadd.s32 @!p0 $0x100000, s0  }
0x149: {  	[sflag:s0] =	ssyncadd.tile.s32 @!p0 $0x1;
	_ =	shalt  }
.Lfunc_end2:
_tile_overlayer_lowered:
.L_overlay_start_2:
0x14a: {  	(tag) =	ssettag $0x2  }
0x14b: {  	s0 =	rddreg [dreg:$0x0];
	s2 =	stileid.u32  }
0x14c: {  	s1 =	rddreg [dreg:$0x1];
	p0 =	sne.s32 s2, $0x0  }
0x14d: {  	s3 =	rddreg [dreg:$0x2];
	[bflag:$0x3] =	sbarrier.arrive $0xFFFF;
	s2 =	simm.s32 @!p0 $0x1C06  }
0x14e: {  	[timem:s3], [sflag:s2] =	dma.local @!p0 [hbm:s0], s1  }
0x14f: {  	s0 =	simm.s32 @!p0 $0x6  }
0x150: {  	_ =	swait.ge @!p0 [sflag:s0], s1  }
0x151: {  	s1 =	ssub.s32 @!p0 $0x0, s1;
	[sflag:s0] =	ssyncset.done @!p0 $0x0  }
0x152: {  	[sflag:s0] =	ssyncadd.s32 @!p0 s1  }
0x153: {  	[bflag:$0x3] =	sbarrier.arrive $0xFFFF  }
0x154: {  	_ =	shalt  }

</sc_bundles>
